<compile_context>
chip_gen: v7x
topology: tpu7x:2x2x1
jax: 0.10.2.dev20260603
libtpu: 0.0.44.dev20260713+nightly
codegen_flags: <defaults>
</compile_context>

<pallas_src>
import jax
import jax.numpy as jnp
from jax import lax
from jax.experimental import pallas as pl
from jax.experimental.pallas import tpu as pltpu
from jax.experimental.pallas import tpu_sc as plsc

N = 10000
NP = 10240
E = 320000
D = 128
NC = 2
NS = 16
NW = NC * NS
EPW = E // NW
K = 80
NCH = EPW // K
RPS = NP // NS


def _make_sc_agg(with_deg: bool):
    out_type = [jax.ShapeDtypeStruct((NC, NP, D), jnp.float32)]
    scratch = [
        pltpu.VMEM_SHARED((NP, D), jnp.float32),
        pltpu.VMEM((2, K), jnp.int32),
        pltpu.VMEM((K, D), jnp.float32),
        pltpu.SemaphoreType.DMA,
    ]
    if with_deg:
        out_type.append(jax.ShapeDtypeStruct((NC * NP,), jnp.float32))
        scratch += [
            pltpu.VMEM_SHARED((NP,), jnp.float32),
            pltpu.VMEM((K,), jnp.float32),
        ]

    mesh = plsc.VectorSubcoreMesh(core_axis_name="c", subcore_axis_name="s")

    def body(*refs):
        if with_deg:
            (x, srcr, dstr, zr, z1r, onesr,
             part_o, deg_o, acc, eiv, rows, sem, dacc, onesv) = refs
        else:
            (x, srcr, dstr, zr,
             part_o, acc, eiv, rows, sem) = refs
        c = lax.axis_index("c")
        s = lax.axis_index("s")
        r0 = s * RPS
        pltpu.sync_copy(zr, acc.at[pl.ds(r0, RPS)])
        if with_deg:
            pltpu.sync_copy(z1r, dacc.at[pl.ds(r0, RPS)])
            pltpu.sync_copy(onesr, onesv)
        plsc.subcore_barrier()
        base = (c * NS + s) * EPW

        def step(i, carry):
            off = base + i * K
            pltpu.sync_copy(srcr.at[pl.ds(off, K)], eiv.at[0])
            pltpu.sync_copy(dstr.at[pl.ds(off, K)], eiv.at[1])
            pltpu.async_copy(x.at[eiv.at[0]], rows, sem).wait()
            pltpu.sync_copy(rows, acc.at[eiv.at[1]], add=True)
            if with_deg:
                pltpu.sync_copy(onesv, dacc.at[eiv.at[1]], add=True)
            return carry

        lax.fori_loop(0, NCH, step, 0)
        plsc.subcore_barrier()
        pltpu.sync_copy(acc.at[pl.ds(r0, RPS)], part_o.at[c, pl.ds(r0, RPS)])
        if with_deg:
            pltpu.sync_copy(dacc.at[pl.ds(r0, RPS)],
                            deg_o.at[pl.ds(c * NP + r0, RPS)])

    return pl.kernel(body, out_type=tuple(out_type), mesh=mesh,
                     scratch_types=scratch)


_sc_agg_deg = _make_sc_agg(True)
_sc_agg = _make_sc_agg(False)

BR = 1024


def _tc1_body(p_ref, d_ref, w_ref, o_ref):
    ssum = p_ref[0] + p_ref[1]
    agg = ssum / jnp.maximum(d_ref[...], 1.0)
    h = lax.dot_general(agg, w_ref[...], (((1,), (1,)), ((), ())),
                        preferred_element_type=jnp.float32)
    o_ref[...] = jnp.maximum(h, 0.0)


def _tc2_body(p_ref, d_ref, w2_ref, wo_ref, bo_ref, out_ref, h_ref):
    ssum = p_ref[0] + p_ref[1]
    agg = ssum / jnp.maximum(d_ref[...], 1.0)
    h2 = lax.dot_general(agg, w2_ref[...], (((1,), (1,)), ((), ())),
                         preferred_element_type=jnp.float32)
    logits = lax.dot_general(h2, wo_ref[...], (((1,), (1,)), ((), ())),
                             preferred_element_type=jnp.float32)
    logits = logits + bo_ref[...]
    m = jnp.max(logits, axis=1, keepdims=True)
    lse = jnp.log(jnp.sum(jnp.exp(logits - m), axis=1, keepdims=True)) + m
    out_ref[...] = logits - lse
    h_ref[...] = h2


def _tc_layer1(part, degcol, W1):
    return pl.pallas_call(
        _tc1_body,
        grid=(NP // BR,),
        in_specs=[
            pl.BlockSpec((NC, BR, D), lambda i: (0, i, 0)),
            pl.BlockSpec((BR, 1), lambda i: (i, 0)),
            pl.BlockSpec((D, D), lambda i: (0, 0)),
        ],
        out_specs=pl.BlockSpec((BR, D), lambda i: (i, 0)),
        out_shape=jax.ShapeDtypeStruct((NP, D), jnp.float32),
    )(part, degcol, W1)


def _tc_layer2(part, degcol, W2, Wo, bo2d):
    return pl.pallas_call(
        _tc2_body,
        grid=(NP // BR,),
        in_specs=[
            pl.BlockSpec((NC, BR, D), lambda i: (0, i, 0)),
            pl.BlockSpec((BR, 1), lambda i: (i, 0)),
            pl.BlockSpec((D, D), lambda i: (0, 0)),
            pl.BlockSpec((64, D), lambda i: (0, 0)),
            pl.BlockSpec((1, 64), lambda i: (0, 0)),
        ],
        out_specs=[
            pl.BlockSpec((BR, 64), lambda i: (i, 0)),
            pl.BlockSpec((BR, D), lambda i: (i, 0)),
        ],
        out_shape=[
            jax.ShapeDtypeStruct((NP, 64), jnp.float32),
            jax.ShapeDtypeStruct((NP, D), jnp.float32),
        ],
    )(part, degcol, W2, Wo, bo2d)


def kernel(x, edge_index, W1, W2, Wo, bo):
    src = edge_index[0]
    dst = edge_index[1]
    zeros = jnp.zeros((RPS, D), jnp.float32)
    z1 = jnp.zeros((RPS,), jnp.float32)
    ones = jnp.ones((K,), jnp.float32)
    part1, deg1 = _sc_agg_deg(x, src, dst, zeros, z1, ones)
    degcol = (deg1[:NP] + deg1[NP:]).reshape(NP, 1)
    h1 = _tc_layer1(part1, degcol, W1)
    (part2,) = _sc_agg(h1, src, dst, zeros)
    out, h2 = _tc_layer2(part2, degcol, W2, Wo, bo.reshape(1, 64))
    return (out[:N], h2[:N])

# --- scband reference (transcript-rebuilt; emitter-appended) ---
"""Pipeline reference for scband-noisy-gnn-12068858102169 (READ-ONLY COPY).

The authoritative reference and input builder live on the scoring server;
editing this copy changes nothing except your own understanding.
"""

import jax, jax.numpy as jnp
import numpy as np

N = 10000
E = 320000
D_IN = 128
D_H = 128
D_OUT = 64


def setup_inputs(seed: int = 0) -> dict:
    key = jax.random.key(seed)
    k1, k2, k3, k4, k5, k6 = jax.random.split(key, 6)
    x = jax.random.normal(k1, (N, D_IN), dtype=jnp.float32)
    edge_index = jax.random.randint(k2, (2, E), 0, N, dtype=jnp.int32)
    # SimpleMeanPool layer weights (Linear, bias=False): weight shape [out, in]
    W1 = jax.random.normal(k3, (D_H, D_IN), dtype=jnp.float32) * 0.05
    W2 = jax.random.normal(k4, (D_H, D_H), dtype=jnp.float32) * 0.05
    # out_proj Linear with bias
    Wo = jax.random.normal(k5, (D_OUT, D_H), dtype=jnp.float32) * 0.05
    bo = jax.random.normal(k6, (D_OUT,), dtype=jnp.float32) * 0.05
    return {"x": x, "edge_index": edge_index, "W1": W1, "W2": W2, "Wo": Wo, "bo": bo}


def _mean_agg(h, src, dst):
    # SimpleConv(aggr='mean'): out[dst] = mean over incoming edges of h[src]
    summed = jax.ops.segment_sum(h[src], dst, num_segments=N)
    deg = jax.ops.segment_sum(jnp.ones((src.shape[0],), dtype=h.dtype), dst, num_segments=N)
    return summed / jnp.clip(deg, 1.0)[:, None]


def reference(x, edge_index, W1, W2, Wo, bo):
    src = edge_index[0]
    dst = edge_index[1]
    # layer 1: mean-pool conv + linear (no bias), then relu (act between layers)
    h = _mean_agg(x, src, dst) @ W1.T
    h = jax.nn.relu(h)
    # layer 2: mean-pool conv + linear (no bias), no act after last layer
    h = _mean_agg(h, src, dst) @ W2.T
    hidden_emb = h
    logits = h @ Wo.T + bo
    outputs = jax.nn.log_softmax(logits, axis=1)
    return (outputs, hidden_emb)

if __name__ == "__main__":
    import jax
    _d = setup_inputs()
    print(jax.jit(kernel)(*tuple(_d.values())))

</pallas_src>

<mosaic_0001>
#map = affine_map<(d0, d1) -> (0, 0)>
#map1 = affine_map<(d0, d1) -> (0)>
#map2 = affine_map<(d0, d1) -> (0, 0, 0)>
module attributes {stable_mosaic.version = 14 : i64} {
  func.func @body(%arg0: i32, %arg1: i32, %arg2: memref<10240x128xf32, #tpu.memory_space<hbm>>, %arg3: memref<320000xi32, #tpu.memory_space<hbm>>, %arg4: memref<320000xi32, #tpu.memory_space<hbm>>, %arg5: memref<640x128xf32, #tpu.memory_space<hbm>>, %arg6: memref<2x10240x128xf32, #tpu.memory_space<hbm>>, %arg7: memref<10240x128xf32, #tpu.memory_space<vmem_shared>>, %arg8: memref<2x80xi32, #tpu.memory_space<vmem>>, %arg9: memref<80x128xf32, #tpu.memory_space<vmem>>, %arg10: memref<!tpu.dma_semaphore, #tpu.memory_space<semaphore_mem>>) attributes {dimension_semantics = [#tpu.dimension_semantics<core_parallel>, #tpu.dimension_semantics<subcore_parallel>], iteration_bounds = array<i64: 2, 16>, scalar_prefetch = 0 : i64, scratch_operands = 4 : i64, tpu.core_type = #tpu.core_type<sc_vector_subcore>, window_params = [{transform_indices = #map}, {transform_indices = #map1}, {transform_indices = #map1}, {transform_indices = #map}, {transform_indices = #map2}]} {
    %mul3A = arith.constant 640 : i32
    %mul3A_0 = arith.muli %arg1, %mul3A : i32
    "tpu.region"() ({
      %run_scoped3A = tpu.sem_alloc : memref<!tpu.dma_semaphore, #tpu.memory_space<semaphore_mem>>
      %dma_start3A = arith.constant 0 : i32
      %dma_start3A_11 = tpu.memref_slice %arg7[%mul3A_0, %dma_start3A] : memref<10240x128xf32, #tpu.memory_space<vmem_shared>> -> memref<640x128xf32, #tpu.memory_space<vmem_shared>>
      tpu.enqueue_dma source(%arg5 : memref<640x128xf32, #tpu.memory_space<hbm>>) target(%dma_start3A_11 : memref<640x128xf32, #tpu.memory_space<vmem_shared>>) target_semaphore(%run_scoped3A : memref<!tpu.dma_semaphore, #tpu.memory_space<semaphore_mem>>)
      %dma_wait3A = arith.constant 0 : i32
      %dma_wait3A_12 = tpu.memref_slice %arg7[%mul3A_0, %dma_wait3A] : memref<10240x128xf32, #tpu.memory_space<vmem_shared>> -> memref<640x128xf32, #tpu.memory_space<vmem_shared>>
      tpu.wait_dma2 semaphore(%run_scoped3A : memref<!tpu.dma_semaphore, #tpu.memory_space<semaphore_mem>>) src(%arg5 : memref<640x128xf32, #tpu.memory_space<hbm>>) dst(%dma_wait3A_12 : memref<640x128xf32, #tpu.memory_space<vmem_shared>>)
      tpu.yield
    }) : () -> ()
    %barrier3A = arith.constant 0 : index
    tpu.barrier barrier_id(%barrier3A)
    %mul3A_1 = arith.constant 16 : i32
    %mul3A_2 = arith.muli %arg0, %mul3A_1 : i32
    %add3A = arith.addi %mul3A_2, %arg1 : i32
    %mul3A_3 = arith.constant 10000 : i32
    %mul3A_4 = arith.muli %add3A, %mul3A_3 : i32
    %scan3A = arith.constant 0 : i32
    %scan3A_5 = arith.constant 0 : i32
    %scan3A_6 = arith.constant 125 : i32
    %scan3A_7 = arith.addi %scan3A_5, %scan3A_6 : i32
    %scan3A_8 = arith.constant 1 : i32
    scf.for %scan3A_11 = %scan3A_5 to %scan3A_7 step %scan3A_8  : i32 {
      %mul3A_12 = arith.constant 80 : i32
      %mul3A_13 = arith.muli %scan3A_11, %mul3A_12 : i32
      %add3A_14 = arith.addi %mul3A_4, %mul3A_13 : i32
      %run_scoped3A = arith.constant 0 : i32
      "tpu.region"() ({
        %run_scoped3A_29 = tpu.sem_alloc : memref<!tpu.dma_semaphore, #tpu.memory_space<semaphore_mem>>
        %dma_start3A_30 = arith.constant 0 : i32
        %dma_start3A_31 = tpu.memref_slice %arg8[%run_scoped3A, %dma_start3A_30] : memref<2x80xi32, #tpu.memory_space<vmem>> -> memref<1x80xi32, #tpu.memory_space<vmem>>
        %dma_start3A_32 = tpu.memref_squeeze %dma_start3A_31 : memref<1x80xi32, #tpu.memory_space<vmem>> -> memref<80xi32, #tpu.memory_space<vmem>>
        %dma_start3A_33 = tpu.memref_slice %arg3[%add3A_14] : memref<320000xi32, #tpu.memory_space<hbm>> -> memref<80xi32, #tpu.memory_space<hbm>>
        %dma_start3A_34 = arith.constant 0 : i32
        %dma_start3A_35 = tpu.memref_slice %arg8[%run_scoped3A, %dma_start3A_34] : memref<2x80xi32, #tpu.memory_space<vmem>> -> memref<1x80xi32, #tpu.memory_space<vmem>>
        %dma_start3A_36 = tpu.memref_squeeze %dma_start3A_35 : memref<1x80xi32, #tpu.memory_space<vmem>> -> memref<80xi32, #tpu.memory_space<vmem>>
        %dma_start3A_37 = tpu.memref_slice %arg3[%add3A_14] : memref<320000xi32, #tpu.memory_space<hbm>> -> memref<80xi32, #tpu.memory_space<hbm>>
        tpu.enqueue_dma source(%dma_start3A_37 : memref<80xi32, #tpu.memory_space<hbm>>) target(%dma_start3A_36 : memref<80xi32, #tpu.memory_space<vmem>>) target_semaphore(%run_scoped3A_29 : memref<!tpu.dma_semaphore, #tpu.memory_space<semaphore_mem>>)
        %dma_wait3A_38 = arith.constant 0 : i32
        %dma_wait3A_39 = tpu.memref_slice %arg8[%run_scoped3A, %dma_wait3A_38] : memref<2x80xi32, #tpu.memory_space<vmem>> -> memref<1x80xi32, #tpu.memory_space<vmem>>
        %dma_wait3A_40 = tpu.memref_squeeze %dma_wait3A_39 : memref<1x80xi32, #tpu.memory_space<vmem>> -> memref<80xi32, #tpu.memory_space<vmem>>
        %dma_wait3A_41 = tpu.memref_slice %arg3[%add3A_14] : memref<320000xi32, #tpu.memory_space<hbm>> -> memref<80xi32, #tpu.memory_space<hbm>>
        %dma_wait3A_42 = arith.constant 0 : i32
        %dma_wait3A_43 = tpu.memref_slice %arg8[%run_scoped3A, %dma_wait3A_42] : memref<2x80xi32, #tpu.memory_space<vmem>> -> memref<1x80xi32, #tpu.memory_space<vmem>>
        %dma_wait3A_44 = tpu.memref_squeeze %dma_wait3A_43 : memref<1x80xi32, #tpu.memory_space<vmem>> -> memref<80xi32, #tpu.memory_space<vmem>>
        %dma_wait3A_45 = tpu.memref_slice %arg3[%add3A_14] : memref<320000xi32, #tpu.memory_space<hbm>> -> memref<80xi32, #tpu.memory_space<hbm>>
        tpu.wait_dma2 semaphore(%run_scoped3A_29 : memref<!tpu.dma_semaphore, #tpu.memory_space<semaphore_mem>>) src(%dma_wait3A_45 : memref<80xi32, #tpu.memory_space<hbm>>) dst(%dma_wait3A_44 : memref<80xi32, #tpu.memory_space<vmem>>)
        tpu.yield
      }) : () -> ()
      %run_scoped3A_15 = arith.constant 1 : i32
      "tpu.region"() ({
        %run_scoped3A_29 = tpu.sem_alloc : memref<!tpu.dma_semaphore, #tpu.memory_space<semaphore_mem>>
        %dma_start3A_30 = arith.constant 0 : i32
        %dma_start3A_31 = tpu.memref_slice %arg8[%run_scoped3A_15, %dma_start3A_30] : memref<2x80xi32, #tpu.memory_space<vmem>> -> memref<1x80xi32, #tpu.memory_space<vmem>>
        %dma_start3A_32 = tpu.memref_squeeze %dma_start3A_31 : memref<1x80xi32, #tpu.memory_space<vmem>> -> memref<80xi32, #tpu.memory_space<vmem>>
        %dma_start3A_33 = tpu.memref_slice %arg4[%add3A_14] : memref<320000xi32, #tpu.memory_space<hbm>> -> memref<80xi32, #tpu.memory_space<hbm>>
        %dma_start3A_34 = arith.constant 0 : i32
        %dma_start3A_35 = tpu.memref_slice %arg8[%run_scoped3A_15, %dma_start3A_34] : memref<2x80xi32, #tpu.memory_space<vmem>> -> memref<1x80xi32, #tpu.memory_space<vmem>>
        %dma_start3A_36 = tpu.memref_squeeze %dma_start3A_35 : memref<1x80xi32, #tpu.memory_space<vmem>> -> memref<80xi32, #tpu.memory_space<vmem>>
        %dma_start3A_37 = tpu.memref_slice %arg4[%add3A_14] : memref<320000xi32, #tpu.memory_space<hbm>> -> memref<80xi32, #tpu.memory_space<hbm>>
        tpu.enqueue_dma source(%dma_start3A_37 : memref<80xi32, #tpu.memory_space<hbm>>) target(%dma_start3A_36 : memref<80xi32, #tpu.memory_space<vmem>>) target_semaphore(%run_scoped3A_29 : memref<!tpu.dma_semaphore, #tpu.memory_space<semaphore_mem>>)
        %dma_wait3A_38 = arith.constant 0 : i32
        %dma_wait3A_39 = tpu.memref_slice %arg8[%run_scoped3A_15, %dma_wait3A_38] : memref<2x80xi32, #tpu.memory_space<vmem>> -> memref<1x80xi32, #tpu.memory_space<vmem>>
        %dma_wait3A_40 = tpu.memref_squeeze %dma_wait3A_39 : memref<1x80xi32, #tpu.memory_space<vmem>> -> memref<80xi32, #tpu.memory_space<vmem>>
        %dma_wait3A_41 = tpu.memref_slice %arg4[%add3A_14] : memref<320000xi32, #tpu.memory_space<hbm>> -> memref<80xi32, #tpu.memory_space<hbm>>
        %dma_wait3A_42 = arith.constant 0 : i32
        %dma_wait3A_43 = tpu.memref_slice %arg8[%run_scoped3A_15, %dma_wait3A_42] : memref<2x80xi32, #tpu.memory_space<vmem>> -> memref<1x80xi32, #tpu.memory_space<vmem>>
        %dma_wait3A_44 = tpu.memref_squeeze %dma_wait3A_43 : memref<1x80xi32, #tpu.memory_space<vmem>> -> memref<80xi32, #tpu.memory_space<vmem>>
        %dma_wait3A_45 = tpu.memref_slice %arg4[%add3A_14] : memref<320000xi32, #tpu.memory_space<hbm>> -> memref<80xi32, #tpu.memory_space<hbm>>
        tpu.wait_dma2 semaphore(%run_scoped3A_29 : memref<!tpu.dma_semaphore, #tpu.memory_space<semaphore_mem>>) src(%dma_wait3A_45 : memref<80xi32, #tpu.memory_space<hbm>>) dst(%dma_wait3A_44 : memref<80xi32, #tpu.memory_space<vmem>>)
        tpu.yield
      }) : () -> ()
      %dma_start3A = arith.constant 0 : i32
      %dma_start3A_16 = arith.constant 0 : i32
      %dma_start3A_17 = tpu.memref_slice %arg8[%dma_start3A, %dma_start3A_16] : memref<2x80xi32, #tpu.memory_space<vmem>> -> memref<1x80xi32, #tpu.memory_space<vmem>>
      %dma_start3A_18 = tpu.memref_squeeze %dma_start3A_17 : memref<1x80xi32, #tpu.memory_space<vmem>> -> memref<80xi32, #tpu.memory_space<vmem>>
      %dma_start3A_19 = arith.constant 0 : i32
      %dma_start3A_20 = arith.constant 0 : i32
      %dma_start3A_21 = tpu.memref_slice %arg2[%dma_start3A_19, %dma_start3A_20] : memref<10240x128xf32, #tpu.memory_space<hbm>> -> memref<10240x128xf32, #tpu.memory_space<hbm>>
      tpu.enqueue_indirect_dma source(%dma_start3A_21 : memref<10240x128xf32, #tpu.memory_space<hbm>>) target(%arg9 : memref<80x128xf32, #tpu.memory_space<vmem>>) offsets(%dma_start3A_18 : memref<80xi32, #tpu.memory_space<vmem>>) semaphore(%arg10 : memref<!tpu.dma_semaphore, #tpu.memory_space<semaphore_mem>>)
      %dma_wait3A = arith.constant 0 : i32
      %dma_wait3A_22 = arith.constant 0 : i32
      %dma_wait3A_23 = tpu.memref_slice %arg8[%dma_wait3A, %dma_wait3A_22] : memref<2x80xi32, #tpu.memory_space<vmem>> -> memref<1x80xi32, #tpu.memory_space<vmem>>
      %dma_wait3A_24 = tpu.memref_squeeze %dma_wait3A_23 : memref<1x80xi32, #tpu.memory_space<vmem>> -> memref<80xi32, #tpu.memory_space<vmem>>
      %dma_wait3A_25 = arith.constant 0 : i32
      %dma_wait3A_26 = arith.constant 0 : i32
      %dma_wait3A_27 = tpu.memref_slice %arg2[%dma_wait3A_25, %dma_wait3A_26] : memref<10240x128xf32, #tpu.memory_space<hbm>> -> memref<10240x128xf32, #tpu.memory_space<hbm>>
      tpu.wait_indirect_dma semaphore(%arg10 : memref<!tpu.dma_semaphore, #tpu.memory_space<semaphore_mem>>) src(%dma_wait3A_27 : memref<10240x128xf32, #tpu.memory_space<hbm>>) dst(%arg9 : memref<80x128xf32, #tpu.memory_space<vmem>>)
      %run_scoped3A_28 = arith.constant 1 : i32
      "tpu.region"() ({
        %run_scoped3A_29 = tpu.sem_alloc : memref<!tpu.dma_semaphore, #tpu.memory_space<semaphore_mem>>
        %dma_start3A_30 = arith.constant 0 : i32
        %dma_start3A_31 = tpu.memref_slice %arg8[%run_scoped3A_28, %dma_start3A_30] : memref<2x80xi32, #tpu.memory_space<vmem>> -> memref<1x80xi32, #tpu.memory_space<vmem>>
        %dma_start3A_32 = tpu.memref_squeeze %dma_start3A_31 : memref<1x80xi32, #tpu.memory_space<vmem>> -> memref<80xi32, #tpu.memory_space<vmem>>
        %dma_start3A_33 = arith.constant 0 : i32
        %dma_start3A_34 = arith.constant 0 : i32
        %dma_start3A_35 = tpu.memref_slice %arg7[%dma_start3A_33, %dma_start3A_34] : memref<10240x128xf32, #tpu.memory_space<vmem_shared>> -> memref<10240x128xf32, #tpu.memory_space<vmem_shared>>
        tpu.enqueue_indirect_dma source(%arg9 : memref<80x128xf32, #tpu.memory_space<vmem>>) target(%dma_start3A_35 : memref<10240x128xf32, #tpu.memory_space<vmem_shared>>) offsets(%dma_start3A_32 : memref<80xi32, #tpu.memory_space<vmem>>) semaphore(%run_scoped3A_29 : memref<!tpu.dma_semaphore, #tpu.memory_space<semaphore_mem>>) {add = true}
        %dma_wait3A_36 = arith.constant 0 : i32
        %dma_wait3A_37 = tpu.memref_slice %arg8[%run_scoped3A_28, %dma_wait3A_36] : memref<2x80xi32, #tpu.memory_space<vmem>> -> memref<1x80xi32, #tpu.memory_space<vmem>>
        %dma_wait3A_38 = tpu.memref_squeeze %dma_wait3A_37 : memref<1x80xi32, #tpu.memory_space<vmem>> -> memref<80xi32, #tpu.memory_space<vmem>>
        %dma_wait3A_39 = arith.constant 0 : i32
        %dma_wait3A_40 = arith.constant 0 : i32
        %dma_wait3A_41 = tpu.memref_slice %arg7[%dma_wait3A_39, %dma_wait3A_40] : memref<10240x128xf32, #tpu.memory_space<vmem_shared>> -> memref<10240x128xf32, #tpu.memory_space<vmem_shared>>
        tpu.wait_indirect_dma semaphore(%run_scoped3A_29 : memref<!tpu.dma_semaphore, #tpu.memory_space<semaphore_mem>>) src(%arg9 : memref<80x128xf32, #tpu.memory_space<vmem>>) dst(%dma_wait3A_41 : memref<10240x128xf32, #tpu.memory_space<vmem_shared>>)
        tpu.yield
      }) : () -> ()
    }
    %scan3A_9 = arith.constant 125 : i32
    %barrier3A_10 = arith.constant 0 : index
    tpu.barrier barrier_id(%barrier3A_10)
    "tpu.region"() ({
      %run_scoped3A = tpu.sem_alloc : memref<!tpu.dma_semaphore, #tpu.memory_space<semaphore_mem>>
      %dma_start3A = arith.constant 0 : i32
      %dma_start3A_11 = tpu.memref_slice %arg6[%arg0, %mul3A_0, %dma_start3A] : memref<2x10240x128xf32, #tpu.memory_space<hbm>> -> memref<1x640x128xf32, #tpu.memory_space<hbm>>
      %dma_start3A_12 = tpu.memref_squeeze %dma_start3A_11 : memref<1x640x128xf32, #tpu.memory_space<hbm>> -> memref<640x128xf32, #tpu.memory_space<hbm>>
      %dma_start3A_13 = arith.constant 0 : i32
      %dma_start3A_14 = tpu.memref_slice %arg7[%mul3A_0, %dma_start3A_13] : memref<10240x128xf32, #tpu.memory_space<vmem_shared>> -> memref<640x128xf32, #tpu.memory_space<vmem_shared>>
      tpu.enqueue_dma source(%dma_start3A_14 : memref<640x128xf32, #tpu.memory_space<vmem_shared>>) target(%dma_start3A_12 : memref<640x128xf32, #tpu.memory_space<hbm>>) target_semaphore(%run_scoped3A : memref<!tpu.dma_semaphore, #tpu.memory_space<semaphore_mem>>)
      %dma_wait3A = arith.constant 0 : i32
      %dma_wait3A_15 = tpu.memref_slice %arg6[%arg0, %mul3A_0, %dma_wait3A] : memref<2x10240x128xf32, #tpu.memory_space<hbm>> -> memref<1x640x128xf32, #tpu.memory_space<hbm>>
      %dma_wait3A_16 = tpu.memref_squeeze %dma_wait3A_15 : memref<1x640x128xf32, #tpu.memory_space<hbm>> -> memref<640x128xf32, #tpu.memory_space<hbm>>
      %dma_wait3A_17 = arith.constant 0 : i32
      %dma_wait3A_18 = tpu.memref_slice %arg7[%mul3A_0, %dma_wait3A_17] : memref<10240x128xf32, #tpu.memory_space<vmem_shared>> -> memref<640x128xf32, #tpu.memory_space<vmem_shared>>
      tpu.wait_dma2 semaphore(%run_scoped3A : memref<!tpu.dma_semaphore, #tpu.memory_space<semaphore_mem>>) src(%dma_wait3A_18 : memref<640x128xf32, #tpu.memory_space<vmem_shared>>) dst(%dma_wait3A_16 : memref<640x128xf32, #tpu.memory_space<hbm>>)
      tpu.yield
    }) : () -> ()
    return
  }
}

#map = affine_map<(d0, d1) -> (0, 0)>
#map1 = affine_map<(d0, d1) -> (0)>
#map2 = affine_map<(d0, d1) -> (0, 0, 0)>
module attributes {stable_mosaic.version = 14 : i64} {
  func.func @body(%arg0: i32, %arg1: i32, %arg2: memref<10000x128xf32, #tpu.memory_space<hbm>>, %arg3: memref<320000xi32, #tpu.memory_space<hbm>>, %arg4: memref<320000xi32, #tpu.memory_space<hbm>>, %arg5: memref<640x128xf32, #tpu.memory_space<hbm>>, %arg6: memref<640xf32, #tpu.memory_space<hbm>>, %arg7: memref<80xf32, #tpu.memory_space<hbm>>, %arg8: memref<2x10240x128xf32, #tpu.memory_space<hbm>>, %arg9: memref<20480xf32, #tpu.memory_space<hbm>>, %arg10: memref<10240x128xf32, #tpu.memory_space<vmem_shared>>, %arg11: memref<2x80xi32, #tpu.memory_space<vmem>>, %arg12: memref<80x128xf32, #tpu.memory_space<vmem>>, %arg13: memref<!tpu.dma_semaphore, #tpu.memory_space<semaphore_mem>>, %arg14: memref<10240xf32, #tpu.memory_space<vmem_shared>>, %arg15: memref<80xf32, #tpu.memory_space<vmem>>) attributes {dimension_semantics = [#tpu.dimension_semantics<core_parallel>, #tpu.dimension_semantics<subcore_parallel>], iteration_bounds = array<i64: 2, 16>, scalar_prefetch = 0 : i64, scratch_operands = 6 : i64, tpu.core_type = #tpu.core_type<sc_vector_subcore>, window_params = [{transform_indices = #map}, {transform_indices = #map1}, {transform_indices = #map1}, {transform_indices = #map}, {transform_indices = #map1}, {transform_indices = #map1}, {transform_indices = #map2}, {transform_indices = #map1}]} {
    %mul3A = arith.constant 640 : i32
    %mul3A_0 = arith.muli %arg1, %mul3A : i32
    "tpu.region"() ({
      %run_scoped3A = tpu.sem_alloc : memref<!tpu.dma_semaphore, #tpu.memory_space<semaphore_mem>>
      %dma_start3A = arith.constant 0 : i32
      %dma_start3A_14 = tpu.memref_slice %arg10[%mul3A_0, %dma_start3A] : memref<10240x128xf32, #tpu.memory_space<vmem_shared>> -> memref<640x128xf32, #tpu.memory_space<vmem_shared>>
      tpu.enqueue_dma source(%arg5 : memref<640x128xf32, #tpu.memory_space<hbm>>) target(%dma_start3A_14 : memref<640x128xf32, #tpu.memory_space<vmem_shared>>) target_semaphore(%run_scoped3A : memref<!tpu.dma_semaphore, #tpu.memory_space<semaphore_mem>>)
      %dma_wait3A = arith.constant 0 : i32
      %dma_wait3A_15 = tpu.memref_slice %arg10[%mul3A_0, %dma_wait3A] : memref<10240x128xf32, #tpu.memory_space<vmem_shared>> -> memref<640x128xf32, #tpu.memory_space<vmem_shared>>
      tpu.wait_dma2 semaphore(%run_scoped3A : memref<!tpu.dma_semaphore, #tpu.memory_space<semaphore_mem>>) src(%arg5 : memref<640x128xf32, #tpu.memory_space<hbm>>) dst(%dma_wait3A_15 : memref<640x128xf32, #tpu.memory_space<vmem_shared>>)
      tpu.yield
    }) : () -> ()
    "tpu.region"() ({
      %run_scoped3A = tpu.sem_alloc : memref<!tpu.dma_semaphore, #tpu.memory_space<semaphore_mem>>
      %dma_start3A = tpu.memref_slice %arg14[%mul3A_0] : memref<10240xf32, #tpu.memory_space<vmem_shared>> -> memref<640xf32, #tpu.memory_space<vmem_shared>>
      tpu.enqueue_dma source(%arg6 : memref<640xf32, #tpu.memory_space<hbm>>) target(%dma_start3A : memref<640xf32, #tpu.memory_space<vmem_shared>>) target_semaphore(%run_scoped3A : memref<!tpu.dma_semaphore, #tpu.memory_space<semaphore_mem>>)
      %dma_wait3A = tpu.memref_slice %arg14[%mul3A_0] : memref<10240xf32, #tpu.memory_space<vmem_shared>> -> memref<640xf32, #tpu.memory_space<vmem_shared>>
      tpu.wait_dma2 semaphore(%run_scoped3A : memref<!tpu.dma_semaphore, #tpu.memory_space<semaphore_mem>>) src(%arg6 : memref<640xf32, #tpu.memory_space<hbm>>) dst(%dma_wait3A : memref<640xf32, #tpu.memory_space<vmem_shared>>)
      tpu.yield
    }) : () -> ()
    "tpu.region"() ({
      %run_scoped3A = tpu.sem_alloc : memref<!tpu.dma_semaphore, #tpu.memory_space<semaphore_mem>>
      tpu.enqueue_dma source(%arg7 : memref<80xf32, #tpu.memory_space<hbm>>) target(%arg15 : memref<80xf32, #tpu.memory_space<vmem>>) target_semaphore(%run_scoped3A : memref<!tpu.dma_semaphore, #tpu.memory_space<semaphore_mem>>)
      tpu.wait_dma2 semaphore(%run_scoped3A : memref<!tpu.dma_semaphore, #tpu.memory_space<semaphore_mem>>) src(%arg7 : memref<80xf32, #tpu.memory_space<hbm>>) dst(%arg15 : memref<80xf32, #tpu.memory_space<vmem>>)
      tpu.yield
    }) : () -> ()
    %barrier3A = arith.constant 0 : index
    tpu.barrier barrier_id(%barrier3A)
    %mul3A_1 = arith.constant 16 : i32
    %mul3A_2 = arith.muli %arg0, %mul3A_1 : i32
    %add3A = arith.addi %mul3A_2, %arg1 : i32
    %mul3A_3 = arith.constant 10000 : i32
    %mul3A_4 = arith.muli %add3A, %mul3A_3 : i32
    %scan3A = arith.constant 0 : i32
    %scan3A_5 = arith.constant 0 : i32
    %scan3A_6 = arith.constant 125 : i32
    %scan3A_7 = arith.addi %scan3A_5, %scan3A_6 : i32
    %scan3A_8 = arith.constant 1 : i32
    scf.for %scan3A_14 = %scan3A_5 to %scan3A_7 step %scan3A_8  : i32 {
      %mul3A_15 = arith.constant 80 : i32
      %mul3A_16 = arith.muli %scan3A_14, %mul3A_15 : i32
      %add3A_17 = arith.addi %mul3A_4, %mul3A_16 : i32
      %run_scoped3A = arith.constant 0 : i32
      "tpu.region"() ({
        %run_scoped3A_33 = tpu.sem_alloc : memref<!tpu.dma_semaphore, #tpu.memory_space<semaphore_mem>>
        %dma_start3A_34 = arith.constant 0 : i32
        %dma_start3A_35 = tpu.memref_slice %arg11[%run_scoped3A, %dma_start3A_34] : memref<2x80xi32, #tpu.memory_space<vmem>> -> memref<1x80xi32, #tpu.memory_space<vmem>>
        %dma_start3A_36 = tpu.memref_squeeze %dma_start3A_35 : memref<1x80xi32, #tpu.memory_space<vmem>> -> memref<80xi32, #tpu.memory_space<vmem>>
        %dma_start3A_37 = tpu.memref_slice %arg3[%add3A_17] : memref<320000xi32, #tpu.memory_space<hbm>> -> memref<80xi32, #tpu.memory_space<hbm>>
        %dma_start3A_38 = arith.constant 0 : i32
        %dma_start3A_39 = tpu.memref_slice %arg11[%run_scoped3A, %dma_start3A_38] : memref<2x80xi32, #tpu.memory_space<vmem>> -> memref<1x80xi32, #tpu.memory_space<vmem>>
        %dma_start3A_40 = tpu.memref_squeeze %dma_start3A_39 : memref<1x80xi32, #tpu.memory_space<vmem>> -> memref<80xi32, #tpu.memory_space<vmem>>
        %dma_start3A_41 = tpu.memref_slice %arg3[%add3A_17] : memref<320000xi32, #tpu.memory_space<hbm>> -> memref<80xi32, #tpu.memory_space<hbm>>
        tpu.enqueue_dma source(%dma_start3A_41 : memref<80xi32, #tpu.memory_space<hbm>>) target(%dma_start3A_40 : memref<80xi32, #tpu.memory_space<vmem>>) target_semaphore(%run_scoped3A_33 : memref<!tpu.dma_semaphore, #tpu.memory_space<semaphore_mem>>)
        %dma_wait3A_42 = arith.constant 0 : i32
        %dma_wait3A_43 = tpu.memref_slice %arg11[%run_scoped3A, %dma_wait3A_42] : memref<2x80xi32, #tpu.memory_space<vmem>> -> memref<1x80xi32, #tpu.memory_space<vmem>>
        %dma_wait3A_44 = tpu.memref_squeeze %dma_wait3A_43 : memref<1x80xi32, #tpu.memory_space<vmem>> -> memref<80xi32, #tpu.memory_space<vmem>>
        %dma_wait3A_45 = tpu.memref_slice %arg3[%add3A_17] : memref<320000xi32, #tpu.memory_space<hbm>> -> memref<80xi32, #tpu.memory_space<hbm>>
        %dma_wait3A_46 = arith.constant 0 : i32
        %dma_wait3A_47 = tpu.memref_slice %arg11[%run_scoped3A, %dma_wait3A_46] : memref<2x80xi32, #tpu.memory_space<vmem>> -> memref<1x80xi32, #tpu.memory_space<vmem>>
        %dma_wait3A_48 = tpu.memref_squeeze %dma_wait3A_47 : memref<1x80xi32, #tpu.memory_space<vmem>> -> memref<80xi32, #tpu.memory_space<vmem>>
        %dma_wait3A_49 = tpu.memref_slice %arg3[%add3A_17] : memref<320000xi32, #tpu.memory_space<hbm>> -> memref<80xi32, #tpu.memory_space<hbm>>
        tpu.wait_dma2 semaphore(%run_scoped3A_33 : memref<!tpu.dma_semaphore, #tpu.memory_space<semaphore_mem>>) src(%dma_wait3A_49 : memref<80xi32, #tpu.memory_space<hbm>>) dst(%dma_wait3A_48 : memref<80xi32, #tpu.memory_space<vmem>>)
        tpu.yield
      }) : () -> ()
      %run_scoped3A_18 = arith.constant 1 : i32
      "tpu.region"() ({
        %run_scoped3A_33 = tpu.sem_alloc : memref<!tpu.dma_semaphore, #tpu.memory_space<semaphore_mem>>
        %dma_start3A_34 = arith.constant 0 : i32
        %dma_start3A_35 = tpu.memref_slice %arg11[%run_scoped3A_18, %dma_start3A_34] : memref<2x80xi32, #tpu.memory_space<vmem>> -> memref<1x80xi32, #tpu.memory_space<vmem>>
        %dma_start3A_36 = tpu.memref_squeeze %dma_start3A_35 : memref<1x80xi32, #tpu.memory_space<vmem>> -> memref<80xi32, #tpu.memory_space<vmem>>
        %dma_start3A_37 = tpu.memref_slice %arg4[%add3A_17] : memref<320000xi32, #tpu.memory_space<hbm>> -> memref<80xi32, #tpu.memory_space<hbm>>
        %dma_start3A_38 = arith.constant 0 : i32
        %dma_start3A_39 = tpu.memref_slice %arg11[%run_scoped3A_18, %dma_start3A_38] : memref<2x80xi32, #tpu.memory_space<vmem>> -> memref<1x80xi32, #tpu.memory_space<vmem>>
        %dma_start3A_40 = tpu.memref_squeeze %dma_start3A_39 : memref<1x80xi32, #tpu.memory_space<vmem>> -> memref<80xi32, #tpu.memory_space<vmem>>
        %dma_start3A_41 = tpu.memref_slice %arg4[%add3A_17] : memref<320000xi32, #tpu.memory_space<hbm>> -> memref<80xi32, #tpu.memory_space<hbm>>
        tpu.enqueue_dma source(%dma_start3A_41 : memref<80xi32, #tpu.memory_space<hbm>>) target(%dma_start3A_40 : memref<80xi32, #tpu.memory_space<vmem>>) target_semaphore(%run_scoped3A_33 : memref<!tpu.dma_semaphore, #tpu.memory_space<semaphore_mem>>)
        %dma_wait3A_42 = arith.constant 0 : i32
        %dma_wait3A_43 = tpu.memref_slice %arg11[%run_scoped3A_18, %dma_wait3A_42] : memref<2x80xi32, #tpu.memory_space<vmem>> -> memref<1x80xi32, #tpu.memory_space<vmem>>
        %dma_wait3A_44 = tpu.memref_squeeze %dma_wait3A_43 : memref<1x80xi32, #tpu.memory_space<vmem>> -> memref<80xi32, #tpu.memory_space<vmem>>
        %dma_wait3A_45 = tpu.memref_slice %arg4[%add3A_17] : memref<320000xi32, #tpu.memory_space<hbm>> -> memref<80xi32, #tpu.memory_space<hbm>>
        %dma_wait3A_46 = arith.constant 0 : i32
        %dma_wait3A_47 = tpu.memref_slice %arg11[%run_scoped3A_18, %dma_wait3A_46] : memref<2x80xi32, #tpu.memory_space<vmem>> -> memref<1x80xi32, #tpu.memory_space<vmem>>
        %dma_wait3A_48 = tpu.memref_squeeze %dma_wait3A_47 : memref<1x80xi32, #tpu.memory_space<vmem>> -> memref<80xi32, #tpu.memory_space<vmem>>
        %dma_wait3A_49 = tpu.memref_slice %arg4[%add3A_17] : memref<320000xi32, #tpu.memory_space<hbm>> -> memref<80xi32, #tpu.memory_space<hbm>>
        tpu.wait_dma2 semaphore(%run_scoped3A_33 : memref<!tpu.dma_semaphore, #tpu.memory_space<semaphore_mem>>) src(%dma_wait3A_49 : memref<80xi32, #tpu.memory_space<hbm>>) dst(%dma_wait3A_48 : memref<80xi32, #tpu.memory_space<vmem>>)
        tpu.yield
      }) : () -> ()
      %dma_start3A = arith.constant 0 : i32
      %dma_start3A_19 = arith.constant 0 : i32
      %dma_start3A_20 = tpu.memref_slice %arg11[%dma_start3A, %dma_start3A_19] : memref<2x80xi32, #tpu.memory_space<vmem>> -> memref<1x80xi32, #tpu.memory_space<vmem>>
      %dma_start3A_21 = tpu.memref_squeeze %dma_start3A_20 : memref<1x80xi32, #tpu.memory_space<vmem>> -> memref<80xi32, #tpu.memory_space<vmem>>
      %dma_start3A_22 = arith.constant 0 : i32
      %dma_start3A_23 = arith.constant 0 : i32
      %dma_start3A_24 = tpu.memref_slice %arg2[%dma_start3A_22, %dma_start3A_23] : memref<10000x128xf32, #tpu.memory_space<hbm>> -> memref<10000x128xf32, #tpu.memory_space<hbm>>
      tpu.enqueue_indirect_dma source(%dma_start3A_24 : memref<10000x128xf32, #tpu.memory_space<hbm>>) target(%arg12 : memref<80x128xf32, #tpu.memory_space<vmem>>) offsets(%dma_start3A_21 : memref<80xi32, #tpu.memory_space<vmem>>) semaphore(%arg13 : memref<!tpu.dma_semaphore, #tpu.memory_space<semaphore_mem>>)
      %dma_wait3A = arith.constant 0 : i32
      %dma_wait3A_25 = arith.constant 0 : i32
      %dma_wait3A_26 = tpu.memref_slice %arg11[%dma_wait3A, %dma_wait3A_25] : memref<2x80xi32, #tpu.memory_space<vmem>> -> memref<1x80xi32, #tpu.memory_space<vmem>>
      %dma_wait3A_27 = tpu.memref_squeeze %dma_wait3A_26 : memref<1x80xi32, #tpu.memory_space<vmem>> -> memref<80xi32, #tpu.memory_space<vmem>>
      %dma_wait3A_28 = arith.constant 0 : i32
      %dma_wait3A_29 = arith.constant 0 : i32
      %dma_wait3A_30 = tpu.memref_slice %arg2[%dma_wait3A_28, %dma_wait3A_29] : memref<10000x128xf32, #tpu.memory_space<hbm>> -> memref<10000x128xf32, #tpu.memory_space<hbm>>
      tpu.wait_indirect_dma semaphore(%arg13 : memref<!tpu.dma_semaphore, #tpu.memory_space<semaphore_mem>>) src(%dma_wait3A_30 : memref<10000x128xf32, #tpu.memory_space<hbm>>) dst(%arg12 : memref<80x128xf32, #tpu.memory_space<vmem>>)
      %run_scoped3A_31 = arith.constant 1 : i32
      "tpu.region"() ({
        %run_scoped3A_33 = tpu.sem_alloc : memref<!tpu.dma_semaphore, #tpu.memory_space<semaphore_mem>>
        %dma_start3A_34 = arith.constant 0 : i32
        %dma_start3A_35 = tpu.memref_slice %arg11[%run_scoped3A_31, %dma_start3A_34] : memref<2x80xi32, #tpu.memory_space<vmem>> -> memref<1x80xi32, #tpu.memory_space<vmem>>
        %dma_start3A_36 = tpu.memref_squeeze %dma_start3A_35 : memref<1x80xi32, #tpu.memory_space<vmem>> -> memref<80xi32, #tpu.memory_space<vmem>>
        %dma_start3A_37 = arith.constant 0 : i32
        %dma_start3A_38 = arith.constant 0 : i32
        %dma_start3A_39 = tpu.memref_slice %arg10[%dma_start3A_37, %dma_start3A_38] : memref<10240x128xf32, #tpu.memory_space<vmem_shared>> -> memref<10240x128xf32, #tpu.memory_space<vmem_shared>>
        tpu.enqueue_indirect_dma source(%arg12 : memref<80x128xf32, #tpu.memory_space<vmem>>) target(%dma_start3A_39 : memref<10240x128xf32, #tpu.memory_space<vmem_shared>>) offsets(%dma_start3A_36 : memref<80xi32, #tpu.memory_space<vmem>>) semaphore(%run_scoped3A_33 : memref<!tpu.dma_semaphore, #tpu.memory_space<semaphore_mem>>) {add = true}
        %dma_wait3A_40 = arith.constant 0 : i32
        %dma_wait3A_41 = tpu.memref_slice %arg11[%run_scoped3A_31, %dma_wait3A_40] : memref<2x80xi32, #tpu.memory_space<vmem>> -> memref<1x80xi32, #tpu.memory_space<vmem>>
        %dma_wait3A_42 = tpu.memref_squeeze %dma_wait3A_41 : memref<1x80xi32, #tpu.memory_space<vmem>> -> memref<80xi32, #tpu.memory_space<vmem>>
        %dma_wait3A_43 = arith.constant 0 : i32
        %dma_wait3A_44 = arith.constant 0 : i32
        %dma_wait3A_45 = tpu.memref_slice %arg10[%dma_wait3A_43, %dma_wait3A_44] : memref<10240x128xf32, #tpu.memory_space<vmem_shared>> -> memref<10240x128xf32, #tpu.memory_space<vmem_shared>>
        tpu.wait_indirect_dma semaphore(%run_scoped3A_33 : memref<!tpu.dma_semaphore, #tpu.memory_space<semaphore_mem>>) src(%arg12 : memref<80x128xf32, #tpu.memory_space<vmem>>) dst(%dma_wait3A_45 : memref<10240x128xf32, #tpu.memory_space<vmem_shared>>)
        tpu.yield
      }) : () -> ()
      %run_scoped3A_32 = arith.constant 1 : i32
      "tpu.region"() ({
        %run_scoped3A_33 = tpu.sem_alloc : memref<!tpu.dma_semaphore, #tpu.memory_space<semaphore_mem>>
        %dma_start3A_34 = arith.constant 0 : i32
        %dma_start3A_35 = tpu.memref_slice %arg11[%run_scoped3A_32, %dma_start3A_34] : memref<2x80xi32, #tpu.memory_space<vmem>> -> memref<1x80xi32, #tpu.memory_space<vmem>>
        %dma_start3A_36 = tpu.memref_squeeze %dma_start3A_35 : memref<1x80xi32, #tpu.memory_space<vmem>> -> memref<80xi32, #tpu.memory_space<vmem>>
        %dma_start3A_37 = arith.constant 0 : i32
        %dma_start3A_38 = tpu.memref_slice %arg14[%dma_start3A_37] : memref<10240xf32, #tpu.memory_space<vmem_shared>> -> memref<10240xf32, #tpu.memory_space<vmem_shared>>
        tpu.enqueue_indirect_dma source(%arg15 : memref<80xf32, #tpu.memory_space<vmem>>) target(%dma_start3A_38 : memref<10240xf32, #tpu.memory_space<vmem_shared>>) offsets(%dma_start3A_36 : memref<80xi32, #tpu.memory_space<vmem>>) semaphore(%run_scoped3A_33 : memref<!tpu.dma_semaphore, #tpu.memory_space<semaphore_mem>>) {add = true}
        %dma_wait3A_39 = arith.constant 0 : i32
        %dma_wait3A_40 = tpu.memref_slice %arg11[%run_scoped3A_32, %dma_wait3A_39] : memref<2x80xi32, #tpu.memory_space<vmem>> -> memref<1x80xi32, #tpu.memory_space<vmem>>
        %dma_wait3A_41 = tpu.memref_squeeze %dma_wait3A_40 : memref<1x80xi32, #tpu.memory_space<vmem>> -> memref<80xi32, #tpu.memory_space<vmem>>
        %dma_wait3A_42 = arith.constant 0 : i32
        %dma_wait3A_43 = tpu.memref_slice %arg14[%dma_wait3A_42] : memref<10240xf32, #tpu.memory_space<vmem_shared>> -> memref<10240xf32, #tpu.memory_space<vmem_shared>>
        tpu.wait_indirect_dma semaphore(%run_scoped3A_33 : memref<!tpu.dma_semaphore, #tpu.memory_space<semaphore_mem>>) src(%arg15 : memref<80xf32, #tpu.memory_space<vmem>>) dst(%dma_wait3A_43 : memref<10240xf32, #tpu.memory_space<vmem_shared>>)
        tpu.yield
      }) : () -> ()
    }
    %scan3A_9 = arith.constant 125 : i32
    %barrier3A_10 = arith.constant 0 : index
    tpu.barrier barrier_id(%barrier3A_10)
    "tpu.region"() ({
      %run_scoped3A = tpu.sem_alloc : memref<!tpu.dma_semaphore, #tpu.memory_space<semaphore_mem>>
      %dma_start3A = arith.constant 0 : i32
      %dma_start3A_14 = tpu.memref_slice %arg8[%arg0, %mul3A_0, %dma_start3A] : memref<2x10240x128xf32, #tpu.memory_space<hbm>> -> memref<1x640x128xf32, #tpu.memory_space<hbm>>
      %dma_start3A_15 = tpu.memref_squeeze %dma_start3A_14 : memref<1x640x128xf32, #tpu.memory_space<hbm>> -> memref<640x128xf32, #tpu.memory_space<hbm>>
      %dma_start3A_16 = arith.constant 0 : i32
      %dma_start3A_17 = tpu.memref_slice %arg10[%mul3A_0, %dma_start3A_16] : memref<10240x128xf32, #tpu.memory_space<vmem_shared>> -> memref<640x128xf32, #tpu.memory_space<vmem_shared>>
      tpu.enqueue_dma source(%dma_start3A_17 : memref<640x128xf32, #tpu.memory_space<vmem_shared>>) target(%dma_start3A_15 : memref<640x128xf32, #tpu.memory_space<hbm>>) target_semaphore(%run_scoped3A : memref<!tpu.dma_semaphore, #tpu.memory_space<semaphore_mem>>)
      %dma_wait3A = arith.constant 0 : i32
      %dma_wait3A_18 = tpu.memref_slice %arg8[%arg0, %mul3A_0, %dma_wait3A] : memref<2x10240x128xf32, #tpu.memory_space<hbm>> -> memref<1x640x128xf32, #tpu.memory_space<hbm>>
      %dma_wait3A_19 = tpu.memref_squeeze %dma_wait3A_18 : memref<1x640x128xf32, #tpu.memory_space<hbm>> -> memref<640x128xf32, #tpu.memory_space<hbm>>
      %dma_wait3A_20 = arith.constant 0 : i32
      %dma_wait3A_21 = tpu.memref_slice %arg10[%mul3A_0, %dma_wait3A_20] : memref<10240x128xf32, #tpu.memory_space<vmem_shared>> -> memref<640x128xf32, #tpu.memory_space<vmem_shared>>
      tpu.wait_dma2 semaphore(%run_scoped3A : memref<!tpu.dma_semaphore, #tpu.memory_space<semaphore_mem>>) src(%dma_wait3A_21 : memref<640x128xf32, #tpu.memory_space<vmem_shared>>) dst(%dma_wait3A_19 : memref<640x128xf32, #tpu.memory_space<hbm>>)
      tpu.yield
    }) : () -> ()
    %mul3A_11 = arith.constant 10240 : i32
    %mul3A_12 = arith.muli %arg0, %mul3A_11 : i32
    %add3A_13 = arith.addi %mul3A_12, %mul3A_0 : i32
    "tpu.region"() ({
      %run_scoped3A = tpu.sem_alloc : memref<!tpu.dma_semaphore, #tpu.memory_space<semaphore_mem>>
      %dma_start3A = tpu.memref_slice %arg9[%add3A_13] : memref<20480xf32, #tpu.memory_space<hbm>> -> memref<640xf32, #tpu.memory_space<hbm>>
      %dma_start3A_14 = tpu.memref_slice %arg14[%mul3A_0] : memref<10240xf32, #tpu.memory_space<vmem_shared>> -> memref<640xf32, #tpu.memory_space<vmem_shared>>
      tpu.enqueue_dma source(%dma_start3A_14 : memref<640xf32, #tpu.memory_space<vmem_shared>>) target(%dma_start3A : memref<640xf32, #tpu.memory_space<hbm>>) target_semaphore(%run_scoped3A : memref<!tpu.dma_semaphore, #tpu.memory_space<semaphore_mem>>)
      %dma_wait3A = tpu.memref_slice %arg9[%add3A_13] : memref<20480xf32, #tpu.memory_space<hbm>> -> memref<640xf32, #tpu.memory_space<hbm>>
      %dma_wait3A_15 = tpu.memref_slice %arg14[%mul3A_0] : memref<10240xf32, #tpu.memory_space<vmem_shared>> -> memref<640xf32, #tpu.memory_space<vmem_shared>>
      tpu.wait_dma2 semaphore(%run_scoped3A : memref<!tpu.dma_semaphore, #tpu.memory_space<semaphore_mem>>) src(%dma_wait3A_15 : memref<640xf32, #tpu.memory_space<vmem_shared>>) dst(%dma_wait3A : memref<640xf32, #tpu.memory_space<hbm>>)
      tpu.yield
    }) : () -> ()
    return
  }
}

module attributes {stable_mosaic.version = 14 : i64} {
  func.func @_tc1_body(%arg0: i32, %arg1: memref<2x1024x128xf32, #tpu.memory_space<vmem>>, %arg2: memref<1024x1xf32, #tpu.memory_space<vmem>>, %arg3: memref<128x128xf32, #tpu.memory_space<vmem>>, %arg4: memref<1024x128xf32, #tpu.memory_space<vmem>>) attributes {dimension_semantics = [#tpu.dimension_semantics<arbitrary>], iteration_bounds = array<i64: 10>, scalar_prefetch = 0 : i64, scratch_operands = 0 : i64, tpu.core_type = #tpu.core_type<tc>, window_params = [{transform_indices = @transform_0, window_bounds = array<i64: 2, 1024, 128>}, {transform_indices = @transform_1, window_bounds = array<i64: 1024, 1>}, {pipeline_mode = #tpu.pipeline_mode<synchronous>, transform_indices = @transform_2, window_bounds = array<i64: 128, 128>}, {transform_indices = @transform_3, window_bounds = array<i64: 1024, 128>}]} {
    %get3A = arith.constant 0 : index
    %get3A_0 = arith.constant 0 : index
    %get3A_1 = arith.constant 0 : index
    %get3A_2 = vector.load %arg1[%get3A, %get3A_0, %get3A_1] : memref<2x1024x128xf32, #tpu.memory_space<vmem>>, vector<1x1024x128xf32>
    %get3A_3 = vector.shape_cast %get3A_2 : vector<1x1024x128xf32> to vector<1024x128xf32>
    %get3A_4 = arith.constant 1 : index
    %get3A_5 = arith.constant 0 : index
    %get3A_6 = arith.constant 0 : index
    %get3A_7 = vector.load %arg1[%get3A_4, %get3A_5, %get3A_6] : memref<2x1024x128xf32, #tpu.memory_space<vmem>>, vector<1x1024x128xf32>
    %get3A_8 = vector.shape_cast %get3A_7 : vector<1x1024x128xf32> to vector<1024x128xf32>
    %add3A = arith.addf %get3A_3, %get3A_8 : vector<1024x128xf32>
    %get3A_9 = arith.constant 0 : index
    %get3A_10 = arith.constant 0 : index
    %get3A_11 = vector.load %arg2[%get3A_9, %get3A_10] : memref<1024x1xf32, #tpu.memory_space<vmem>>, vector<1024x1xf32>
    %max3A = arith.constant 1.000000e+00 : f32
    %max3A_12 = vector.broadcast %max3A : f32 to vector<1024x1xf32>
    %max3A_13 = arith.maximumf %get3A_11, %max3A_12 : vector<1024x1xf32>
    %div3A = vector.broadcast %max3A_13 : vector<1024x1xf32> to vector<1024x128xf32>
    %div3A_14 = arith.divf %add3A, %div3A : vector<1024x128xf32>
    %get3A_15 = arith.constant 0 : index
    %get3A_16 = arith.constant 0 : index
    %get3A_17 = vector.load %arg3[%get3A_15, %get3A_16] : memref<128x128xf32, #tpu.memory_space<vmem>>, vector<128x128xf32>
    %dot_general3A = arith.constant dense<0.000000e+00> : vector<1024x128xf32>
    %dot_general3A_18 = tpu.matmul %div3A_14, %get3A_17, %dot_general3A {dimension_numbers = #tpu.dot_dimension_numbers<[1], [1], [0], [0], [0, 0, 1, 0], [], []>, transpose_lhs_hint = false} : vector<1024x128xf32>, vector<128x128xf32>, vector<1024x128xf32> -> vector<1024x128xf32>
    %max3A_19 = arith.constant 0.000000e+00 : f32
    %max3A_20 = vector.broadcast %max3A_19 : f32 to vector<1024x128xf32>
    %max3A_21 = arith.maximumf %dot_general3A_18, %max3A_20 : vector<1024x128xf32>
    %swap3A = arith.constant 0 : index
    %swap3A_22 = arith.constant 0 : index
    %swap3A_23 = vector.load %arg4[%swap3A, %swap3A_22] : memref<1024x128xf32, #tpu.memory_space<vmem>>, vector<1024x128xf32>
    tpu.vector_store %arg4[%swap3A, %swap3A_22], %max3A_21 {strides = array<i32>} : memref<1024x128xf32, #tpu.memory_space<vmem>>, vector<1024x128xf32>,
    return
  }
  func.func @transform_0(%arg0: i32) -> (i32, i32, i32) {
    %c0_i32 = arith.constant 0 : i32
    %c0_i32_0 = arith.constant 0 : i32
    %c0_i32_1 = arith.constant 0 : i32
    return %c0_i32, %arg0, %c0_i32_0 : i32, i32, i32
  }
  func.func @transform_1(%arg0: i32) -> (i32, i32) {
    %c0_i32 = arith.constant 0 : i32
    %c0_i32_0 = arith.constant 0 : i32
    return %arg0, %c0_i32 : i32, i32
  }
  func.func @transform_2(%arg0: i32) -> (i32, i32) {
    %c0_i32 = arith.constant 0 : i32
    %c0_i32_0 = arith.constant 0 : i32
    %c0_i32_1 = arith.constant 0 : i32
    return %c0_i32, %c0_i32_0 : i32, i32
  }
  func.func @transform_3(%arg0: i32) -> (i32, i32) {
    %c0_i32 = arith.constant 0 : i32
    %c0_i32_0 = arith.constant 0 : i32
    return %arg0, %c0_i32 : i32, i32
  }
}

module attributes {stable_mosaic.version = 14 : i64} {
  func.func @_tc2_body(%arg0: i32, %arg1: memref<2x1024x128xf32, #tpu.memory_space<vmem>>, %arg2: memref<1024x1xf32, #tpu.memory_space<vmem>>, %arg3: memref<128x128xf32, #tpu.memory_space<vmem>>, %arg4: memref<64x128xf32, #tpu.memory_space<vmem>>, %arg5: memref<1x64xf32, #tpu.memory_space<vmem>>, %arg6: memref<1024x64xf32, #tpu.memory_space<vmem>>, %arg7: memref<1024x128xf32, #tpu.memory_space<vmem>>) attributes {dimension_semantics = [#tpu.dimension_semantics<arbitrary>], iteration_bounds = array<i64: 10>, scalar_prefetch = 0 : i64, scratch_operands = 0 : i64, tpu.core_type = #tpu.core_type<tc>, window_params = [{transform_indices = @transform_0, window_bounds = array<i64: 2, 1024, 128>}, {transform_indices = @transform_1, window_bounds = array<i64: 1024, 1>}, {pipeline_mode = #tpu.pipeline_mode<synchronous>, transform_indices = @transform_2, window_bounds = array<i64: 128, 128>}, {pipeline_mode = #tpu.pipeline_mode<synchronous>, transform_indices = @transform_3, window_bounds = array<i64: 64, 128>}, {pipeline_mode = #tpu.pipeline_mode<synchronous>, transform_indices = @transform_4, window_bounds = array<i64: 1, 64>}, {transform_indices = @transform_5, window_bounds = array<i64: 1024, 64>}, {transform_indices = @transform_6, window_bounds = array<i64: 1024, 128>}]} {
    %get3A = arith.constant 0 : index
    %get3A_0 = arith.constant 0 : index
    %get3A_1 = arith.constant 0 : index
    %get3A_2 = vector.load %arg1[%get3A, %get3A_0, %get3A_1] : memref<2x1024x128xf32, #tpu.memory_space<vmem>>, vector<1x1024x128xf32>
    %get3A_3 = vector.shape_cast %get3A_2 : vector<1x1024x128xf32> to vector<1024x128xf32>
    %get3A_4 = arith.constant 1 : index
    %get3A_5 = arith.constant 0 : index
    %get3A_6 = arith.constant 0 : index
    %get3A_7 = vector.load %arg1[%get3A_4, %get3A_5, %get3A_6] : memref<2x1024x128xf32, #tpu.memory_space<vmem>>, vector<1x1024x128xf32>
    %get3A_8 = vector.shape_cast %get3A_7 : vector<1x1024x128xf32> to vector<1024x128xf32>
    %add3A = arith.addf %get3A_3, %get3A_8 : vector<1024x128xf32>
    %get3A_9 = arith.constant 0 : index
    %get3A_10 = arith.constant 0 : index
    %get3A_11 = vector.load %arg2[%get3A_9, %get3A_10] : memref<1024x1xf32, #tpu.memory_space<vmem>>, vector<1024x1xf32>
    %max3A = arith.constant 1.000000e+00 : f32
    %max3A_12 = vector.broadcast %max3A : f32 to vector<1024x1xf32>
    %max3A_13 = arith.maximumf %get3A_11, %max3A_12 : vector<1024x1xf32>
    %div3A = vector.broadcast %max3A_13 : vector<1024x1xf32> to vector<1024x128xf32>
    %div3A_14 = arith.divf %add3A, %div3A : vector<1024x128xf32>
    %get3A_15 = arith.constant 0 : index
    %get3A_16 = arith.constant 0 : index
    %get3A_17 = vector.load %arg3[%get3A_15, %get3A_16] : memref<128x128xf32, #tpu.memory_space<vmem>>, vector<128x128xf32>
    %dot_general3A = arith.constant dense<0.000000e+00> : vector<1024x128xf32>
    %dot_general3A_18 = tpu.matmul %div3A_14, %get3A_17, %dot_general3A {dimension_numbers = #tpu.dot_dimension_numbers<[1], [1], [0], [0], [0, 0, 1, 0], [], []>, transpose_lhs_hint = false} : vector<1024x128xf32>, vector<128x128xf32>, vector<1024x128xf32> -> vector<1024x128xf32>
    %get3A_19 = arith.constant 0 : index
    %get3A_20 = arith.constant 0 : index
    %get3A_21 = vector.load %arg4[%get3A_19, %get3A_20] : memref<64x128xf32, #tpu.memory_space<vmem>>, vector<64x128xf32>
    %dot_general3A_22 = arith.constant dense<0.000000e+00> : vector<1024x64xf32>
    %dot_general3A_23 = tpu.matmul %dot_general3A_18, %get3A_21, %dot_general3A_22 {dimension_numbers = #tpu.dot_dimension_numbers<[1], [1], [0], [0], [0, 0, 1, 0], [], []>, transpose_lhs_hint = false} : vector<1024x128xf32>, vector<64x128xf32>, vector<1024x64xf32> -> vector<1024x64xf32>
    %get3A_24 = arith.constant 0 : index
    %get3A_25 = arith.constant 0 : index
    %get3A_26 = vector.load %arg5[%get3A_24, %get3A_25] : memref<1x64xf32, #tpu.memory_space<vmem>>, vector<1x64xf32>
    %add3A_27 = vector.broadcast %get3A_26 : vector<1x64xf32> to vector<1024x64xf32>
    %add3A_28 = arith.addf %dot_general3A_23, %add3A_27 : vector<1024x64xf32>
    %reduce_max3A = arith.constant dense<0xFF800000> : vector<1024xf32>
    %reduce_max3A_29 = vector.multi_reduction <maximumf>, %add3A_28, %reduce_max3A [1] : vector<1024x64xf32> to vector<1024xf32>
    %broadcast_in_dim3A = vector.shape_cast %reduce_max3A_29 : vector<1024xf32> to vector<1024x1xf32>
    %sub3A = vector.broadcast %broadcast_in_dim3A : vector<1024x1xf32> to vector<1024x64xf32>
    %sub3A_30 = arith.subf %add3A_28, %sub3A : vector<1024x64xf32>
    %exp3A = math.exp %sub3A_30 : vector<1024x64xf32>
    %reduce_sum3A = arith.constant dense<0.000000e+00> : vector<1024xf32>
    %reduce_sum3A_31 = vector.multi_reduction <add>, %exp3A, %reduce_sum3A [1] : vector<1024x64xf32> to vector<1024xf32>
    %broadcast_in_dim3A_32 = vector.shape_cast %reduce_sum3A_31 : vector<1024xf32> to vector<1024x1xf32>
    %log3A = math.log %broadcast_in_dim3A_32 : vector<1024x1xf32>
    %add3A_33 = arith.addf %log3A, %broadcast_in_dim3A : vector<1024x1xf32>
    %sub3A_34 = vector.broadcast %add3A_33 : vector<1024x1xf32> to vector<1024x64xf32>
    %sub3A_35 = arith.subf %add3A_28, %sub3A_34 : vector<1024x64xf32>
    %swap3A = arith.constant 0 : index
    %swap3A_36 = arith.constant 0 : index
    %swap3A_37 = vector.load %arg6[%swap3A, %swap3A_36] : memref<1024x64xf32, #tpu.memory_space<vmem>>, vector<1024x64xf32>
    tpu.vector_store %arg6[%swap3A, %swap3A_36], %sub3A_35 {strides = array<i32>} : memref<1024x64xf32, #tpu.memory_space<vmem>>, vector<1024x64xf32>,
    %swap3A_38 = arith.constant 0 : index
    %swap3A_39 = arith.constant 0 : index
    %swap3A_40 = vector.load %arg7[%swap3A_38, %swap3A_39] : memref<1024x128xf32, #tpu.memory_space<vmem>>, vector<1024x128xf32>
    tpu.vector_store %arg7[%swap3A_38, %swap3A_39], %dot_general3A_18 {strides = array<i32>} : memref<1024x128xf32, #tpu.memory_space<vmem>>, vector<1024x128xf32>,
    return
  }
  func.func @transform_0(%arg0: i32) -> (i32, i32, i32) {
    %c0_i32 = arith.constant 0 : i32
    %c0_i32_0 = arith.constant 0 : i32
    %c0_i32_1 = arith.constant 0 : i32
    return %c0_i32, %arg0, %c0_i32_0 : i32, i32, i32
  }
  func.func @transform_1(%arg0: i32) -> (i32, i32) {
    %c0_i32 = arith.constant 0 : i32
    %c0_i32_0 = arith.constant 0 : i32
    return %arg0, %c0_i32 : i32, i32
  }
  func.func @transform_2(%arg0: i32) -> (i32, i32) {
    %c0_i32 = arith.constant 0 : i32
    %c0_i32_0 = arith.constant 0 : i32
    %c0_i32_1 = arith.constant 0 : i32
    return %c0_i32, %c0_i32_0 : i32, i32
  }
  func.func @transform_3(%arg0: i32) -> (i32, i32) {
    %c0_i32 = arith.constant 0 : i32
    %c0_i32_0 = arith.constant 0 : i32
    %c0_i32_1 = arith.constant 0 : i32
    return %c0_i32, %c0_i32_0 : i32, i32
  }
  func.func @transform_4(%arg0: i32) -> (i32, i32) {
    %c0_i32 = arith.constant 0 : i32
    %c0_i32_0 = arith.constant 0 : i32
    %c0_i32_1 = arith.constant 0 : i32
    return %c0_i32, %c0_i32_0 : i32, i32
  }
  func.func @transform_5(%arg0: i32) -> (i32, i32) {
    %c0_i32 = arith.constant 0 : i32
    %c0_i32_0 = arith.constant 0 : i32
    return %arg0, %c0_i32 : i32, i32
  }
  func.func @transform_6(%arg0: i32) -> (i32, i32) {
    %c0_i32 = arith.constant 0 : i32
    %c0_i32_0 = arith.constant 0 : i32
    return %arg0, %c0_i32 : i32, i32
  }
}

</mosaic_0001>

<sc_bundles>
// kernel: kernel.6.cloned.1.call-start
scs
__scs_entry_jumppad:
0x0: {  	(pc) =	sbr.rel $0x88, $3  }
0x1: {  	(tag) =	ssettag $0x0;
	lr =	simm.s32 $0x1  }
0x2: {  	[smem:$0x3F9B] =	sst lr;
	_ =	strace $0xD0000000  }
0x3: {  	_ = 	snop  }
0x4: {  	_ = 	snop  }
0x5: {  	_ = 	snop  }
0x6: {  	_ = 	snop  }
0x7: {  	_ = 	snop  }
__scs_overlays_trampoline_lowered:
0x8: {  	[smem:$0x3FAA] =	sst s0  }
0x9: {  	[smem:$0x3FAB] =	sst s1  }
0xa: {  	[smem:$0x3FAC] =	sst s2  }
0xb: {  	[smem:$0x3FAD] =	sst s3  }
0xc: {  	[smem:$0x3FAE] =	sst s4  }
0xd: {  	[smem:$0x3FAF] =	sst s5  }
0xe: {  	[smem:$0x3FB0] =	sst s6  }
0xf: {  	[smem:$0x3FB1] =	sst s7  }
0x10: {  	[smem:$0x3FB2] =	sst s8  }
0x11: {  	[smem:$0x3FB3] =	sst s9;
	s0 =	simm.s32 @!p0 $0x0  }
0x12: {  	s1 =	sld [smem:$0x3F99];
	s0 =	simm.s32 @p0 $0x1  }
0x13: {  	[smem:$0x3FB4] =	sst s0;
	s0 =	simm.s32 @!p1 $0x0  }
0x14: {  	s2 =	sld [smem:$0x3F98];
	s0 =	simm.s32 @p1 $0x1  }
0x15: {  	[smem:$0x3FB5] =	sst s0;
	s0 =	simm.s32 @!p2 $0x0  }
0x16: {  	s3 =	sld [smem:$0x3FDB];
	s0 =	simm.s32 @p2 $0x1  }
0x17: {  	s4 =	simm.s32 $0x1BF5;
	[smem:$0x3FB7] =	sst s0  }
0x18: {  	s0 =	sld [smem:$0x3F9A];
	_ =	swait.ge [sflag:s4], $0x0  }
0x19: {  	s7 =	sld [smem:$0x3F9B]  }
0x1a: {  	s8 =	sadd.s32 $0xFFFFE003, lr  }
0x1b: {  	s9 =	sadd.s32 $0xFFFFFEF7, lr;
	s5 =	simm.s32 $0xFFFFFFFF;
	p2 =	slt.u32 s8, $0xFFFFF086  }
0x1c: {  	p1 =	slt.u32 s9, $0xF7A;
	s5 =	simm.s32 @!p2 $0x0  }
0x1d: {  	s5 =	simm.s32 @p1 $0x1;
	p0 =	seq.s32 s7, s2  }
0x1e: {  	s7 =	smul.u32 @!p0 $0xF7A, s2;
	p2 =	seq.s32 @!p0 s5, $0x0  }
0x1f: {  	s9 =	smul.u32 $0xF7A, s1;
	s8 =	simm.s32 @!p0 $0x1BF5;
	p2 =	por !p2, p0  }
0x20: {  	[sflag:s8] =	ssyncset.s32 @!p0 $0xFFFFF086;
	s6 =	sadd.s32 @!p0 s3, s7;
	s7 =	simm.s32 @!p0 $0x108  }
0x21: {  	s3 =	sadd.s32 s3, s9;
	s6 =	sadd.s32 @!p0 $0x88, s6;
	s7 =	simm.s32 @p2 $0x1082  }
0x22: {  	[simem:s7], [sflag:s8] =	dma.local @!p0 [hbm:s6], $0xF7A  }
0x23: {  	s9 =	sor.u32 $0xD0000000, s2;
	s6 =	simm.s32 $0x108;
	_ =	swait.ge @!p0 [sflag:s8], $0x0  }
0x24: {  	s3 =	sadd.s32 $0x88, s3;
	s6 =	simm.s32 @!p1 $0x1082;
	[sflag:s4] =	ssyncset.s32 $0xFFFFF086  }
0x25: {  	[simem:s6], [sflag:s4] =	dma.local [hbm:s3], $0xF7A  }
0x26: {  	[smem:$0x3F9B] =	sst s1;
	(tag) =	ssettag s2;
	_ =	strace s9  }
0x27: {  	s1 =	sld [smem:$0x3FAB]  }
0x28: {  	s2 =	sld [smem:$0x3FAC]  }
0x29: {  	s4 =	sld [smem:$0x3FAE]  }
0x2a: {  	p0 =	seq.s32 s5, $0x0;
	s5 =	sld [smem:$0x3FAF]  }
0x2b: {  	s6 =	sld [smem:$0x3FB0]  }
0x2c: {  	s7 =	sld [smem:$0x3FB1]  }
0x2d: {  	s3 =	simm.s32 $0x108;
	s8 =	sld [smem:$0x3FB2]  }
0x2e: {  	s3 =	simm.s32 @!p0 $0x1082;
	s9 =	sld [smem:$0x3FB3]  }
0x2f: {  	lr =	sadd.s32 s0, s3;
	s0 =	sld [smem:$0x3FAA]  }
0x30: {  	s3 =	sld [smem:$0x3FAD]  }
0x31: {  	[smem:$0x3FB6] =	sst s10  }
0x32: {  	s10 =	sld [smem:$0x3FB4];
	_ =	sdelay $0x3  }
0x33: {  	p0 =	seq.s32 s10, $0x1;
	s10 =	sld [smem:$0x3FB6];
	_ =	sdelay $0x3  }
0x34: {  	[smem:$0x3FB6] =	sst s10  }
0x35: {  	s10 =	sld [smem:$0x3FB5];
	_ =	sdelay $0x3  }
0x36: {  	p1 =	seq.s32 s10, $0x1;
	s10 =	sld [smem:$0x3FB6];
	_ =	sdelay $0x3  }
0x37: {  	[smem:$0x3FB6] =	sst s10  }
0x38: {  	s10 =	sld [smem:$0x3FB7]  }
0x39: {  	_ = 	snop;
	(pc) =	sbr.ind lr, $3  }
0x3a: {  	_ = 	snop  }
0x3b: {  	_ = 	snop  }
0x3c: {  	p2 =	seq.s32 s10, $0x1;
	s10 =	sld [smem:$0x3FB6]  }
0x3d: {  	_ =	shalt  }
0x3e: {  	_ =	shalt  }
0x3f: {  	_ =	shalt  }
0x40: {  	_ =	shalt  }
0x41: {  	_ =	shalt  }
0x42: {  	_ =	shalt  }
0x43: {  	_ =	shalt  }
0x44: {  	_ =	shalt  }
0x45: {  	_ =	shalt  }
0x46: {  	_ =	shalt  }
0x47: {  	_ =	shalt  }
0x48: {  	_ =	shalt  }
0x49: {  	_ =	shalt  }
0x4a: {  	_ =	shalt  }
0x4b: {  	_ =	shalt  }
0x4c: {  	_ =	shalt  }
0x4d: {  	_ =	shalt  }
0x4e: {  	_ =	shalt  }
0x4f: {  	_ =	shalt  }
0x50: {  	_ =	shalt  }
0x51: {  	_ =	shalt  }
0x52: {  	_ =	shalt  }
0x53: {  	_ =	shalt  }
0x54: {  	_ =	shalt  }
0x55: {  	_ =	shalt  }
0x56: {  	_ =	shalt  }
0x57: {  	_ =	shalt  }
0x58: {  	_ =	shalt  }
0x59: {  	_ =	shalt  }
0x5a: {  	_ =	shalt  }
0x5b: {  	_ =	shalt  }
0x5c: {  	_ =	shalt  }
0x5d: {  	_ =	shalt  }
0x5e: {  	_ =	shalt  }
0x5f: {  	_ =	shalt  }
0x60: {  	_ =	shalt  }
0x61: {  	_ =	shalt  }
0x62: {  	_ =	shalt  }
0x63: {  	_ =	shalt  }
0x64: {  	_ =	shalt  }
0x65: {  	_ =	shalt  }
0x66: {  	_ =	shalt  }
0x67: {  	_ =	shalt  }
0x68: {  	_ =	shalt  }
0x69: {  	_ =	shalt  }
0x6a: {  	_ =	shalt  }
0x6b: {  	_ =	shalt  }
0x6c: {  	_ =	shalt  }
0x6d: {  	_ =	shalt  }
0x6e: {  	_ =	shalt  }
0x6f: {  	_ =	shalt  }
0x70: {  	_ =	shalt  }
0x71: {  	_ =	shalt  }
0x72: {  	_ =	shalt  }
0x73: {  	_ =	shalt  }
0x74: {  	_ =	shalt  }
0x75: {  	_ =	shalt  }
0x76: {  	_ =	shalt  }
0x77: {  	_ =	shalt  }
0x78: {  	_ =	shalt  }
0x79: {  	_ =	shalt  }
0x7a: {  	_ =	shalt  }
0x7b: {  	_ =	shalt  }
0x7c: {  	_ =	shalt  }
0x7d: {  	_ =	shalt  }
0x7e: {  	_ =	shalt  }
0x7f: {  	_ =	shalt  }
0x80: {  	_ =	shalt  }
0x81: {  	_ =	shalt  }
0x82: {  	_ =	shalt  }
0x83: {  	_ =	shalt  }
0x84: {  	_ =	shalt  }
0x85: {  	_ =	shalt  }
0x86: {  	_ =	shalt  }
0x87: {  	_ =	shalt  }
.Lfunc_end0:
.L_simem_size_0:
called_computation_lowered:
.L_overlay_start_0:
0x88: {  	s2 =	sld [smem:$0x3FD9]  }
0x89: {  	s3 =	sld [smem:$0x3FFE];
	_ =	sdelay $0x1  }
0x8a: {  	s1 =	srdreg.scid  }
0x8b: {  	s0 =	sand.u32 $0x1, s1  }
0x8c: {  	s14 =	sshll.u32 s0, $0xA;
	s2 =	sadd.s32 s3, s2  }
0x8d: {  	s2 =	sadd.s32 s2, s14  }
0x8e: {  	[smem:$0x3FC2] =	sst s2  }
0x8f: {  	_ = 	snop  }
0x90: {  	s2 =	sld [smem:$0x3FD0];
	_ =	sdelay $0x2  }
0x91: {  	s4 =	simm.s32 $0xA;
	s5 =	simm.s32 $0x10;
	s15 =	sld [smem:$0x3FC9]  }
0x92: {  	[smem:s5], [sflag:s4] =	dma.local [hbm:s2], $0x1  }
0x93: {  	_ =	swait.eq [sflag:s4], $0x1  }
0x94: {  	[sflag:s4] =	ssyncset.done $0x0  }
0x95: {  	s16 =	sld [smem:$0x10];
	[sflag:s4] =	ssyncadd.s32 $0xFFFFFFFF  }
0x96: {  	s17 =	sld [smem:$0x11];
	(tm) =	ssettm $0x1  }
0x97: {  	s18 =	sld [smem:$0x3FFB];
	_ =	sdelay $0x3  }
0x98: {  	_ =	strace s18  }
0x99: {  	s5 =	sld [smem:$0x3FFC];
	_ =	sdelay $0x3  }
0x9a: {  	_ =	strace s5  }
0x9b: {  	s5 =	sld [smem:$0x3FFD];
	_ =	sdelay $0x3  }
0x9c: {  	_ =	strace s5  }
0x9d: {  	_ =	strace $0x8FFFFFFF  }
0x9e: {  	s19 =	sld [smem:$0x3FDB];
	_ =	sdelay $0x1  }
0x9f: {  	s6 =	simm.s32 $_scs_section_size  }
0xa0: {  	s7 =	simm.s32 $_size__tile_overlayer_lowered;
	s8 =	simm.s32 $_tile_overlayer_lowered  }
0xa1: {  	s22 =	simm.s32 $0x1BFF;
	s21 =	sshll.u32 s8, $0x1;
	s5 =	sadd.s32 s6, s19  }
0xa2: {  	s9 =	simm.s32 $0x0;
	s20 =	sshll.u32 s7, $0x1;
	s7 =	sadd.s32 s21, s5  }
0xa3: {  	[timem:s9], [sflag:s22] =	dma.local [hbm:s7], s20  }
0xa4: {  	_ =	swait.ge [sflag:s22], s20  }
0xa5: {  	s6 =	ssub.s32 $0x0, s20;
	[sflag:s22] =	ssyncset.done $0x0  }
0xa6: {  	[sflag:s22] =	ssyncadd.s32 s6;
	_ =	sdelay $0x1  }
0xa7: {  	s23 =	simm.s32 $0x1B8B  }
0xa8: {  	_ =	swait.ge [sflag:s23], $0x1  }
0xa9: {  	[sflag:s23] =	ssyncset.done $0x0  }
0xaa: {  	s25 =	simm.s32 $0x1B8E;
	s24 =	sld [smem:$0x3FFE];
	[sflag:s23] =	ssyncadd.s32 $0xFFFFFFFF  }
0xab: {  	s26 =	simm.s32 $execute0_lowered;
	[smem:$0x3FD2] =	sst s25  }
0xac: {  	s7 =	sshll.u32 s26, $0x1;
	_ =	strace $0x80000046;
	[dreg:$0x1] =	wrdreg $0xFFFFFFFF  }
0xad: {  	s28 =	simm.s32 $_size_execute0_lowered;
	s5 =	sadd.s32 s5, s7;
	[dreg:$0x0] =	wrdreg $0x0  }
0xae: {  	s7 =	sshll.u32 s28, $0x1;
	[dreg:$0x2] =	wrdreg s5  }
0xaf: {  	[dreg:$0x3] =	wrdreg s7  }
0xb0: {  	[dreg:$0x4] =	wrdreg $0xC0  }
0xb1: {  	_ =	task [dreg:s9], $0x5FFFF  }
0xb2: {  	[dreg:$0x1] =	wrdreg $0xFFFFFFFF  }
0xb3: {  	[dreg:$0x0] =	wrdreg $0x60  }
0xb4: {  	[dreg:$0x2] =	wrdreg s15  }
0xb5: {  	[dreg:$0x3] =	wrdreg s17  }
0xb6: {  	[dreg:$0x4] =	wrdreg s16  }
0xb7: {  	[dreg:$0x5] =	wrdreg s24  }
0xb8: {  	[dreg:$0x6] =	wrdreg $0x0  }
0xb9: {  	[dreg:$0x7] =	wrdreg $0x169000  }
0xba: {  	[dreg:$0x8] =	wrdreg $0x9  }
0xbb: {  	_ =	task.clear_ibuf [dreg:s9], $0x9FFFF;
	_ =	strace $0x90000046  }
0xbc: {  	s29 =	simm.s32 $0x9;
	_ =	strace $0x80000048  }
0xbd: {  	_ =	swait.ge [sflag:s29], $0x1  }
0xbe: {  	[sflag:s29] =	ssyncadd.s32 $0xFFFFFFFF  }
0xbf: {  	_ =	strace $0x90000048  }
0xc0: {  	_ =	sfence  }
0xc1: {  	s30 =	sld [smem:$0x0];
	_ =	sdelay $0x2  }
0xc2: {  	s31 =	sshll.u32 s1, $0xD;
	s1 =	sshrl.u32 s1, $0x2  }
0xc3: {  	s3 =	sand.u32 $0x4000, s31;
	s1 =	sadd.s32 s1, s30  }
0xc4: {  	s0 =	sor.u32 s3, s0;
	s1 =	sshll.u32 s1, $0x11  }
0xc5: {  	s0 =	sor.u32 s1, s0  }
0xc6: {  	s0 =	sadd.s32 $0x8F2B, s0  }
0xc7: {  	[sflag:s0] =	ssyncadd.remote.s32 $0x1  }
0xc8: {  	_ =	sfence.sel $0xFFFF  }
0xc9: {  	[dreg:$0x0] =	wrdreg $0xFFFFFFFF;
	(pc) =	sbr.abs _section_cstart, $3  }
0xca: {  	[dreg:$0x1] =	wrdreg $0xFFFFFFFF  }
0xcb: {  	_ =	task.clear_ibuf [dreg:s9], $0x2FFFF;
	_ =	strace $0x9FFFFFFF  }
0xcc: {  	(tm) =	ssettm $0x7FFFFFFF  }
0xcd: {  	_ =	shalt  }
tec
execute0_lowered:
.L_overlay_start_1:
0x0: {  	(tag) =	ssettag $0x1  }
0x1: {  	s0 =	rddreg [dreg:$0x0]  }
0x2: {  	s14 =	rddreg [dreg:$0x1]  }
0x3: {  	s13 =	rddreg [dreg:$0x2]  }
0x4: {  	s9 =	rddreg [dreg:$0x3]  }
0x5: {  	s3 =	rddreg [dreg:$0x4]  }
0x6: {  	s1 =	srdreg.scid;
	s2 =	stileid.u32  }
0x7: {  	s4 =	rddreg [dreg:$0x5];
	s7 =	smul.u32 $0x14000, s2  }
0x8: {  	s5 =	simm.s32 $0x0;
	s21 =	simm.s32 $0x50;
	s11 =	smul.u32 $0x280, s2  }
0x9: {  	s22 =	simm.s32 $0x14100;
	s23 =	simm.s32 $0x1;
	s17 =	smul.u32 $0x50000, s2  }
0xa: {  	s10 =	sand.u32 $0x1, s1;
	s1 =	rddreg [dreg:$0x6];
	s19 =	smul.u32 $0x2710, s2  }
0xb: {  	s24 =	simm.s32 $0x0;
	[smem:$0x7FF] =	sst s5;
	s6 =	smul.u32 $0x140000, s10  }
0xc: {  	s29 =	sshll.u32 s2, $0x6;
	s12 =	smul.u32 $0x2800, s10;
	s16 =	ssub.s32 $0x2, s10  }
0xd: {  	_ =	strace $0x80000047;
	s18 =	smul.u32 $0x27100, s10;
	s26 =	sshrl.u32 s16, $0x1  }
0xe: {  	s28 =	sshrl.u32 s17, $0x2;
	s30 =	sadd.s32 s11, s4;
	s8 =	sadd.s32 s7, s6  }
0xf: {  	s6 =	sadd.s32 $0x1600, s9;
	s7 =	sadd.s32 $0x1400, s9;
	s12 =	sadd.s32 s11, s12  }
0x10: {  	s16 =	ssub.s32 s16, s26;
	s20 =	sadd.s32 s28, s3;
	s31 =	sadd.s32 s19, s18  }
0x11: {  	s17 =	sshrl.u32 s30, $0x3;
	s18 =	simm.s32 $0x16B80;
	s19 =	simm.s32 $0x14000  }
0x12: {  	s15 =	sshrl.u32 s8, $0x3;
	s8 =	sadd.s32 $0x1200, s9;
	s12 =	sshrl.u32 s12, $0x3  }
0x13: {  	s15 =	sadd.s32 s15, s9;
	s12 =	sadd.s32 s12, s9;
	s9 =	sor.u32 $0x1C02, s29  }
0x14: {  	s10 =	sadd.s32 $0x4800, s15;
	s11 =	sadd.s32 $0x3E00, s12;
	s15 =	sshrl.u32 s31, $0x3  }
0x15: {  	s12 =	smax.u32 s16, $0x1;
	s16 =	simm.s32 $0x2;
	s13 =	sadd.s32 s15, s13  }
0x16: {  	s14 =	sadd.s32 s15, s14;
	s15 =	sshrl.u32 s20, $0x3;
	s20 =	simm.s32 $0x14080  }
.LBB2_1:
0x17: {  	[spmem:s15], [sflag:s9] =	dma.local [hbm:s6], $0x2800  }
0x18: {  	_ =	swait.ge [sflag:s16], $0x2800  }
0x19: {  	[sflag:s16] =	ssyncset.done $0x0  }
0x1a: {  	[sflag:s16] =	ssyncadd.s32 $0xFFFFD800  }
0x1b: {  	[spmem:s17], [sflag:s9] =	dma.local [hbm:s7], $0x50  }
0x1c: {  	_ =	swait.ge [sflag:s16], $0x50  }
0x1d: {  	[sflag:s16] =	ssyncset.done $0x0  }
0x1e: {  	[sflag:s16] =	ssyncadd.s32 $0xFFFFFFB0  }
0x1f: {  	[tilespmem:s18], [sflag:$0x2] =	stream.linear.gather [hbm4b:s8+s5], $0x80, $0x38;
	[tilespmem:$0x16C00] =	vst v63  }
0x20: {  	_ =	swait.ge [sflag:s16], $0x80  }
0x21: {  	[sflag:s16] =	ssyncset.done $0x0  }
0x22: {  	[sflag:s16] =	ssyncadd.s32 $0xFFFFFF80  }
0x23: {  	s25 =	sadd.s32 $0x0, s14;
	[bflag:$0x0] =	sbarrier.arrive $0xFFFF  }
0x24: {  	[tilespmem:s19], [sflag:$0x2] =	stream.linear.gather [hbm4b:s25+s5], $0x50, $0x38;
	[tilespmem:$0x16C00] =	vst v63  }
0x25: {  	_ =	swait.ge [sflag:s16], $0x50  }
0x26: {  	[sflag:s16] =	ssyncset.done $0x0  }
0x27: {  	s31 =	sadd.s32 $0x0, s13;
	[sflag:s16] =	ssyncadd.s32 $0xFFFFFFB0  }
0x28: {  	[tilespmem:s20], [sflag:$0x2] =	stream.linear.gather [hbm4b:s31+s5], $0x50, $0x38;
	[tilespmem:$0x16C00] =	vst v63  }
0x29: {  	_ =	swait.ge [sflag:s16], $0x50  }
0x2a: {  	[sflag:s16] =	ssyncset.done $0x0  }
0x2b: {  	[sflag:s16] =	ssyncadd.s32 $0xFFFFFFB0  }
0x2c: {  	[tilespmem:s22], [sflag:$0x1] =	stream.indirect.gather [hbm4b:s0+s21], $0x80, s19, s21, $0xb8;
	[tilespmem:$0x16C00] =	vst v63  }
0x2d: {  	_ =	swait.ge [sflag:s23], $0x2800  }
0x2e: {  	[sflag:s23] =	ssyncset.done $0x0  }
0x2f: {  	[sflag:s23] =	ssyncadd.s32 $0xFFFFD800  }
0x30: {  	[spmem:s3] =	stream.indirect.scatter.add.f32 [tilespmem:s22], [sflag:$0x2], $0x80, s20, s21, $0xb8;
	[tilespmem:$0x16C00] =	vst v63  }
0x31: {  	_ =	swait.ge [sflag:s16], $0x2800  }
0x32: {  	[sflag:s16] =	ssyncset.done $0x0  }
0x33: {  	[sflag:s16] =	ssyncadd.s32 $0xFFFFD800  }
0x34: {  	[spmem:s4] =	stream.indirect.scatter.add.f32 [tilespmem:s18], [sflag:$0x2], $0x1, s20, s21, $0xb8;
	[tilespmem:$0x16C00] =	vst v63  }
0x35: {  	_ =	swait.ge [sflag:s16], $0x50  }
0x36: {  	s26 =	simm.s32 $0x14;
	s25 =	simm.s32 $0xA;
	[sflag:s16] =	ssyncset.done $0x0  }
.LBB2_2:
0x37: {  	s28 =	sadd.s32 s25, s14  }
0x38: {  	[sflag:s16] =	ssyncadd.s32 $0xFFFFFFB0;
	s29 =	smov.u32 s26;
	s30 =	sadd.s32 $0xA, s26  }
0x39: {  	[tilespmem:s19], [sflag:$0x2] =	stream.linear.gather [hbm4b:s28+s5], $0x50, $0x38;
	[tilespmem:$0x16C00] =	vst v63  }
0x3a: {  	p0 =	sne.s32 s26, $0x4D8;
	_ =	swait.ge [sflag:s16], $0x50  }
0x3b: {  	[sflag:s16] =	ssyncset.done $0x0  }
0x3c: {  	s26 =	sadd.s32 s25, s13;
	s25 =	smov.u32 s29;
	[sflag:s16] =	ssyncadd.s32 $0xFFFFFFB0  }
0x3d: {  	[tilespmem:s20], [sflag:$0x2] =	stream.linear.gather [hbm4b:s26+s5], $0x50, $0x38;
	[tilespmem:$0x16C00] =	vst v63  }
0x3e: {  	_ =	swait.ge [sflag:s16], $0x50  }
0x3f: {  	[sflag:s16] =	ssyncset.done $0x0  }
0x40: {  	[sflag:s16] =	ssyncadd.s32 $0xFFFFFFB0  }
0x41: {  	[tilespmem:s22], [sflag:$0x1] =	stream.indirect.gather [hbm4b:s0+s21], $0x80, s19, s21, $0xb8;
	[tilespmem:$0x16C00] =	vst v63  }
0x42: {  	_ =	swait.ge [sflag:s23], $0x2800  }
0x43: {  	[sflag:s23] =	ssyncset.done $0x0  }
0x44: {  	[sflag:s23] =	ssyncadd.s32 $0xFFFFD800  }
0x45: {  	[spmem:s3] =	stream.indirect.scatter.add.f32 [tilespmem:s22], [sflag:$0x2], $0x80, s20, s21, $0xb8;
	[tilespmem:$0x16C00] =	vst v63  }
0x46: {  	_ =	swait.ge [sflag:s16], $0x2800  }
.Ltmp0:
0x47: {  	[sflag:s16] =	ssyncset.done $0x0;
	(pc) =	sbr.rel @p0 .LBB2_2-.Ltmp0, $4  }
0x48: {  	[sflag:s16] =	ssyncadd.s32 $0xFFFFD800  }
0x49: {  	[spmem:s4] =	stream.indirect.scatter.add.f32 [tilespmem:s18], [sflag:$0x2], $0x1, s20, s21, $0xb8;
	[tilespmem:$0x16C00] =	vst v63  }
0x4a: {  	_ =	swait.ge [sflag:s16], $0x50  }
0x4b: {  	s26 =	smov.u32 s30;
	[sflag:s16] =	ssyncset.done $0x0  }
0x4c: {  	s26 =	sadd.s32 s25, s14;
	[sflag:s16] =	ssyncadd.s32 $0xFFFFFFB0  }
0x4d: {  	[tilespmem:s19], [sflag:$0x2] =	stream.linear.gather [hbm4b:s26+s5], $0x50, $0x38;
	[tilespmem:$0x16C00] =	vst v63  }
0x4e: {  	_ =	swait.ge [sflag:s16], $0x50  }
0x4f: {  	[sflag:s16] =	ssyncset.done $0x0  }
0x50: {  	s31 =	sadd.s32 s25, s13;
	[sflag:s16] =	ssyncadd.s32 $0xFFFFFFB0  }
0x51: {  	[tilespmem:s20], [sflag:$0x2] =	stream.linear.gather [hbm4b:s31+s5], $0x50, $0x38;
	[tilespmem:$0x16C00] =	vst v63  }
0x52: {  	_ =	swait.ge [sflag:s16], $0x50  }
0x53: {  	[sflag:s16] =	ssyncset.done $0x0  }
0x54: {  	[sflag:s16] =	ssyncadd.s32 $0xFFFFFFB0  }
0x55: {  	[tilespmem:s22], [sflag:$0x1] =	stream.indirect.gather [hbm4b:s0+s21], $0x80, s19, s21, $0xb8;
	[tilespmem:$0x16C00] =	vst v63  }
0x56: {  	_ =	swait.ge [sflag:s23], $0x2800  }
0x57: {  	[sflag:s23] =	ssyncset.done $0x0  }
0x58: {  	[sflag:s23] =	ssyncadd.s32 $0xFFFFD800  }
0x59: {  	[spmem:s3] =	stream.indirect.scatter.add.f32 [tilespmem:s22], [sflag:$0x2], $0x80, s20, s21, $0xb8;
	[tilespmem:$0x16C00] =	vst v63  }
0x5a: {  	_ =	swait.ge [sflag:s16], $0x2800  }
0x5b: {  	[sflag:s16] =	ssyncset.done $0x0  }
0x5c: {  	[sflag:s16] =	ssyncadd.s32 $0xFFFFD800  }
0x5d: {  	[spmem:s4] =	stream.indirect.scatter.add.f32 [tilespmem:s18], [sflag:$0x2], $0x1, s20, s21, $0xb8;
	[tilespmem:$0x16C00] =	vst v63  }
0x5e: {  	_ =	swait.ge [sflag:s16], $0x50  }
0x5f: {  	[sflag:s16] =	ssyncset.done $0x0  }
0x60: {  	[sflag:s16] =	ssyncadd.s32 $0xFFFFFFB0  }
0x61: {  	[bflag:$0x0] =	sbarrier.arrive $0xFFFF  }
0x62: {  	[hbm:s10], [sflag:s9] =	dma.local [spmem:s15], $0x2800  }
0x63: {  	s24 =	sadd.s32 $0x1, s24;
	_ =	swait.ge [sflag:s16], $0x2800  }
0x64: {  	p0 =	sne.s32 s24, s12;
	[sflag:s16] =	ssyncset.done $0x0  }
.Ltmp1:
0x65: {  	[sflag:s16] =	ssyncadd.s32 $0xFFFFD800;
	(pc) =	sbr.rel @p0 .LBB2_1-.Ltmp1, $4  }
0x66: {  	[hbm:s11], [sflag:s9] =	dma.local [spmem:s17], $0x50  }
0x67: {  	_ =	swait.ge [sflag:s16], $0x50  }
0x68: {  	[sflag:s16] =	ssyncset.done $0x0  }
0x69: {  	[sflag:s16] =	ssyncadd.s32 $0xFFFFFFB0  }
0x6a: {  	_ =	sfence.sel $0x180000  }
0x6b: {  	[bflag:$0x0] =	sbarrier.arrive $0xFFFF  }
0x6c: {  	p0 =	sne.s32 s2, $0x0;
	_ =	strace $0x90000047  }
0x6d: {  	s0 =	sadd.s32 @!p0 $0x100000, s1;
	[bflag:$0x2] =	sbarrier.arrive $0xFFFF  }
0x6e: {  	[sflag:s0] =	ssyncadd.tile.s32 @!p0 $0x1;
	_ =	shalt  }
.Lfunc_end2:
_tile_overlayer_lowered:
.L_overlay_start_2:
0x6f: {  	(tag) =	ssettag $0x2  }
0x70: {  	s0 =	rddreg [dreg:$0x0];
	s2 =	stileid.u32  }
0x71: {  	s1 =	rddreg [dreg:$0x1];
	p0 =	sne.s32 s2, $0x0  }
0x72: {  	s3 =	rddreg [dreg:$0x2];
	[bflag:$0x3] =	sbarrier.arrive $0xFFFF;
	s2 =	simm.s32 @!p0 $0x1C02  }
0x73: {  	[timem:s3], [sflag:s2] =	dma.local @!p0 [hbm:s0], s1  }
0x74: {  	s0 =	simm.s32 @!p0 $0x2  }
0x75: {  	_ =	swait.ge @!p0 [sflag:s0], s1  }
0x76: {  	s1 =	ssub.s32 @!p0 $0x0, s1;
	[sflag:s0] =	ssyncset.done @!p0 $0x0  }
0x77: {  	[sflag:s0] =	ssyncadd.s32 @!p0 s1  }
0x78: {  	[bflag:$0x3] =	sbarrier.arrive $0xFFFF  }
0x79: {  	_ =	shalt  }

// kernel: kernel.9.cloned.1.call-start
scs
__scs_entry_jumppad:
0x0: {  	(pc) =	sbr.rel $0x88, $3  }
0x1: {  	(tag) =	ssettag $0x0;
	lr =	simm.s32 $0x1  }
0x2: {  	[smem:$0x3F9B] =	sst lr;
	_ =	strace $0xD0000000  }
0x3: {  	_ = 	snop  }
0x4: {  	_ = 	snop  }
0x5: {  	_ = 	snop  }
0x6: {  	_ = 	snop  }
0x7: {  	_ = 	snop  }
__scs_overlays_trampoline_lowered:
0x8: {  	[smem:$0x3FAA] =	sst s0  }
0x9: {  	[smem:$0x3FAB] =	sst s1  }
0xa: {  	[smem:$0x3FAC] =	sst s2  }
0xb: {  	[smem:$0x3FAD] =	sst s3  }
0xc: {  	[smem:$0x3FAE] =	sst s4  }
0xd: {  	[smem:$0x3FAF] =	sst s5  }
0xe: {  	[smem:$0x3FB0] =	sst s6  }
0xf: {  	[smem:$0x3FB1] =	sst s7  }
0x10: {  	[smem:$0x3FB2] =	sst s8  }
0x11: {  	[smem:$0x3FB3] =	sst s9;
	s0 =	simm.s32 @!p0 $0x0  }
0x12: {  	s1 =	sld [smem:$0x3F99];
	s0 =	simm.s32 @p0 $0x1  }
0x13: {  	[smem:$0x3FB4] =	sst s0;
	s0 =	simm.s32 @!p1 $0x0  }
0x14: {  	s2 =	sld [smem:$0x3F98];
	s0 =	simm.s32 @p1 $0x1  }
0x15: {  	[smem:$0x3FB5] =	sst s0;
	s0 =	simm.s32 @!p2 $0x0  }
0x16: {  	s3 =	sld [smem:$0x3FDB];
	s0 =	simm.s32 @p2 $0x1  }
0x17: {  	s4 =	simm.s32 $0x1BF5;
	[smem:$0x3FB7] =	sst s0  }
0x18: {  	s0 =	sld [smem:$0x3F9A];
	_ =	swait.ge [sflag:s4], $0x0  }
0x19: {  	s7 =	sld [smem:$0x3F9B]  }
0x1a: {  	s8 =	sadd.s32 $0xFFFFE003, lr  }
0x1b: {  	s9 =	sadd.s32 $0xFFFFFEF7, lr;
	s5 =	simm.s32 $0xFFFFFFFF;
	p2 =	slt.u32 s8, $0xFFFFF086  }
0x1c: {  	p1 =	slt.u32 s9, $0xF7A;
	s5 =	simm.s32 @!p2 $0x0  }
0x1d: {  	s5 =	simm.s32 @p1 $0x1;
	p0 =	seq.s32 s7, s2  }
0x1e: {  	s7 =	smul.u32 @!p0 $0xF7A, s2;
	p2 =	seq.s32 @!p0 s5, $0x0  }
0x1f: {  	s9 =	smul.u32 $0xF7A, s1;
	s8 =	simm.s32 @!p0 $0x1BF5;
	p2 =	por !p2, p0  }
0x20: {  	[sflag:s8] =	ssyncset.s32 @!p0 $0xFFFFF086;
	s6 =	sadd.s32 @!p0 s3, s7;
	s7 =	simm.s32 @!p0 $0x108  }
0x21: {  	s3 =	sadd.s32 s3, s9;
	s6 =	sadd.s32 @!p0 $0x88, s6;
	s7 =	simm.s32 @p2 $0x1082  }
0x22: {  	[simem:s7], [sflag:s8] =	dma.local @!p0 [hbm:s6], $0xF7A  }
0x23: {  	s9 =	sor.u32 $0xD0000000, s2;
	s6 =	simm.s32 $0x108;
	_ =	swait.ge @!p0 [sflag:s8], $0x0  }
0x24: {  	s3 =	sadd.s32 $0x88, s3;
	s6 =	simm.s32 @!p1 $0x1082;
	[sflag:s4] =	ssyncset.s32 $0xFFFFF086  }
0x25: {  	[simem:s6], [sflag:s4] =	dma.local [hbm:s3], $0xF7A  }
0x26: {  	[smem:$0x3F9B] =	sst s1;
	(tag) =	ssettag s2;
	_ =	strace s9  }
0x27: {  	s1 =	sld [smem:$0x3FAB]  }
0x28: {  	s2 =	sld [smem:$0x3FAC]  }
0x29: {  	s4 =	sld [smem:$0x3FAE]  }
0x2a: {  	p0 =	seq.s32 s5, $0x0;
	s5 =	sld [smem:$0x3FAF]  }
0x2b: {  	s6 =	sld [smem:$0x3FB0]  }
0x2c: {  	s7 =	sld [smem:$0x3FB1]  }
0x2d: {  	s3 =	simm.s32 $0x108;
	s8 =	sld [smem:$0x3FB2]  }
0x2e: {  	s3 =	simm.s32 @!p0 $0x1082;
	s9 =	sld [smem:$0x3FB3]  }
0x2f: {  	lr =	sadd.s32 s0, s3;
	s0 =	sld [smem:$0x3FAA]  }
0x30: {  	s3 =	sld [smem:$0x3FAD]  }
0x31: {  	[smem:$0x3FB6] =	sst s10  }
0x32: {  	s10 =	sld [smem:$0x3FB4];
	_ =	sdelay $0x3  }
0x33: {  	p0 =	seq.s32 s10, $0x1;
	s10 =	sld [smem:$0x3FB6];
	_ =	sdelay $0x3  }
0x34: {  	[smem:$0x3FB6] =	sst s10  }
0x35: {  	s10 =	sld [smem:$0x3FB5];
	_ =	sdelay $0x3  }
0x36: {  	p1 =	seq.s32 s10, $0x1;
	s10 =	sld [smem:$0x3FB6];
	_ =	sdelay $0x3  }
0x37: {  	[smem:$0x3FB6] =	sst s10  }
0x38: {  	s10 =	sld [smem:$0x3FB7]  }
0x39: {  	_ = 	snop;
	(pc) =	sbr.ind lr, $3  }
0x3a: {  	_ = 	snop  }
0x3b: {  	_ = 	snop  }
0x3c: {  	p2 =	seq.s32 s10, $0x1;
	s10 =	sld [smem:$0x3FB6]  }
0x3d: {  	_ =	shalt  }
0x3e: {  	_ =	shalt  }
0x3f: {  	_ =	shalt  }
0x40: {  	_ =	shalt  }
0x41: {  	_ =	shalt  }
0x42: {  	_ =	shalt  }
0x43: {  	_ =	shalt  }
0x44: {  	_ =	shalt  }
0x45: {  	_ =	shalt  }
0x46: {  	_ =	shalt  }
0x47: {  	_ =	shalt  }
0x48: {  	_ =	shalt  }
0x49: {  	_ =	shalt  }
0x4a: {  	_ =	shalt  }
0x4b: {  	_ =	shalt  }
0x4c: {  	_ =	shalt  }
0x4d: {  	_ =	shalt  }
0x4e: {  	_ =	shalt  }
0x4f: {  	_ =	shalt  }
0x50: {  	_ =	shalt  }
0x51: {  	_ =	shalt  }
0x52: {  	_ =	shalt  }
0x53: {  	_ =	shalt  }
0x54: {  	_ =	shalt  }
0x55: {  	_ =	shalt  }
0x56: {  	_ =	shalt  }
0x57: {  	_ =	shalt  }
0x58: {  	_ =	shalt  }
0x59: {  	_ =	shalt  }
0x5a: {  	_ =	shalt  }
0x5b: {  	_ =	shalt  }
0x5c: {  	_ =	shalt  }
0x5d: {  	_ =	shalt  }
0x5e: {  	_ =	shalt  }
0x5f: {  	_ =	shalt  }
0x60: {  	_ =	shalt  }
0x61: {  	_ =	shalt  }
0x62: {  	_ =	shalt  }
0x63: {  	_ =	shalt  }
0x64: {  	_ =	shalt  }
0x65: {  	_ =	shalt  }
0x66: {  	_ =	shalt  }
0x67: {  	_ =	shalt  }
0x68: {  	_ =	shalt  }
0x69: {  	_ =	shalt  }
0x6a: {  	_ =	shalt  }
0x6b: {  	_ =	shalt  }
0x6c: {  	_ =	shalt  }
0x6d: {  	_ =	shalt  }
0x6e: {  	_ =	shalt  }
0x6f: {  	_ =	shalt  }
0x70: {  	_ =	shalt  }
0x71: {  	_ =	shalt  }
0x72: {  	_ =	shalt  }
0x73: {  	_ =	shalt  }
0x74: {  	_ =	shalt  }
0x75: {  	_ =	shalt  }
0x76: {  	_ =	shalt  }
0x77: {  	_ =	shalt  }
0x78: {  	_ =	shalt  }
0x79: {  	_ =	shalt  }
0x7a: {  	_ =	shalt  }
0x7b: {  	_ =	shalt  }
0x7c: {  	_ =	shalt  }
0x7d: {  	_ =	shalt  }
0x7e: {  	_ =	shalt  }
0x7f: {  	_ =	shalt  }
0x80: {  	_ =	shalt  }
0x81: {  	_ =	shalt  }
0x82: {  	_ =	shalt  }
0x83: {  	_ =	shalt  }
0x84: {  	_ =	shalt  }
0x85: {  	_ =	shalt  }
0x86: {  	_ =	shalt  }
0x87: {  	_ =	shalt  }
.Lfunc_end0:
.L_simem_size_0:
called_computation.1_lowered:
.L_overlay_start_0:
0x88: {  	s2 =	sld [smem:$0x3FD9]  }
0x89: {  	s3 =	sld [smem:$0x3FFE];
	_ =	sdelay $0x1  }
0x8a: {  	s1 =	srdreg.scid  }
0x8b: {  	s0 =	sand.u32 $0x1, s1  }
0x8c: {  	s14 =	sshll.u32 s0, $0xA;
	s2 =	sadd.s32 s3, s2  }
0x8d: {  	s2 =	sadd.s32 s2, s14  }
0x8e: {  	[smem:$0x3FC2] =	sst s2  }
0x8f: {  	_ = 	snop  }
0x90: {  	s2 =	sld [smem:$0x3FD0];
	_ =	sdelay $0x2  }
0x91: {  	s15 =	simm.s32 $0xA;
	s4 =	simm.s32 $0x10  }
0x92: {  	[smem:s4], [sflag:s15] =	dma.local [hbm:s2], $0x1  }
0x93: {  	_ =	swait.eq [sflag:s15], $0x1  }
0x94: {  	[sflag:s15] =	ssyncset.done $0x0  }
0x95: {  	s16 =	sld [smem:$0x10];
	[sflag:s15] =	ssyncadd.s32 $0xFFFFFFFF  }
0x96: {  	s17 =	sld [smem:$0x11];
	(tm) =	ssettm $0x1  }
0x97: {  	s18 =	sld [smem:$0x3FFB];
	_ =	sdelay $0x3  }
0x98: {  	_ =	strace s18  }
0x99: {  	s4 =	sld [smem:$0x3FFC];
	_ =	sdelay $0x3  }
0x9a: {  	_ =	strace s4  }
0x9b: {  	s4 =	sld [smem:$0x3FFD];
	_ =	sdelay $0x3  }
0x9c: {  	_ =	strace s4  }
0x9d: {  	_ =	strace $0x8FFFFFFF  }
0x9e: {  	s19 =	sld [smem:$0x3FDB];
	_ =	sdelay $0x1  }
0x9f: {  	s5 =	simm.s32 $_scs_section_size  }
0xa0: {  	s6 =	simm.s32 $_size__tile_overlayer_lowered;
	s7 =	simm.s32 $_tile_overlayer_lowered  }
0xa1: {  	s22 =	simm.s32 $0x1BFF;
	s21 =	sshll.u32 s7, $0x1;
	s4 =	sadd.s32 s5, s19  }
0xa2: {  	s8 =	simm.s32 $0x0;
	s20 =	sshll.u32 s6, $0x1;
	s6 =	sadd.s32 s21, s4  }
0xa3: {  	[timem:s8], [sflag:s22] =	dma.local [hbm:s6], s20  }
0xa4: {  	_ =	swait.ge [sflag:s22], s20  }
0xa5: {  	s5 =	ssub.s32 $0x0, s20;
	[sflag:s22] =	ssyncset.done $0x0  }
0xa6: {  	[sflag:s22] =	ssyncadd.s32 s5;
	_ =	sdelay $0x1  }
0xa7: {  	s23 =	simm.s32 $0x1B8B  }
0xa8: {  	_ =	swait.ge [sflag:s23], $0x1  }
0xa9: {  	[sflag:s23] =	ssyncset.done $0x0  }
0xaa: {  	s25 =	simm.s32 $0x1B8E;
	s24 =	sld [smem:$0x3FFE];
	[sflag:s23] =	ssyncadd.s32 $0xFFFFFFFF  }
0xab: {  	s26 =	simm.s32 $execute0_lowered;
	[smem:$0x3FD2] =	sst s25  }
0xac: {  	s6 =	sshll.u32 s26, $0x1;
	_ =	strace $0x80000049;
	[dreg:$0x1] =	wrdreg $0xFFFFFFFF  }
0xad: {  	s28 =	simm.s32 $_size_execute0_lowered;
	s4 =	sadd.s32 s4, s6;
	[dreg:$0x0] =	wrdreg $0x0  }
0xae: {  	s6 =	sshll.u32 s28, $0x1;
	[dreg:$0x2] =	wrdreg s4  }
0xaf: {  	[dreg:$0x3] =	wrdreg s6  }
0xb0: {  	[dreg:$0x4] =	wrdreg $0xC0  }
0xb1: {  	_ =	task [dreg:s8], $0x5FFFF  }
0xb2: {  	[dreg:$0x1] =	wrdreg $0xFFFFFFFF  }
0xb3: {  	[dreg:$0x0] =	wrdreg $0x60  }
0xb4: {  	[dreg:$0x2] =	wrdreg s24  }
0xb5: {  	[dreg:$0x3] =	wrdreg s17  }
0xb6: {  	[dreg:$0x4] =	wrdreg s16  }
0xb7: {  	[dreg:$0x5] =	wrdreg $0x0  }
0xb8: {  	[dreg:$0x6] =	wrdreg $0x9  }
0xb9: {  	_ =	task.clear_ibuf [dreg:s8], $0x7FFFF;
	_ =	strace $0x90000049  }
0xba: {  	s29 =	simm.s32 $0x9;
	_ =	strace $0x8000004B  }
0xbb: {  	_ =	swait.ge [sflag:s29], $0x1  }
0xbc: {  	[sflag:s29] =	ssyncadd.s32 $0xFFFFFFFF  }
0xbd: {  	_ =	strace $0x9000004B  }
0xbe: {  	_ =	sfence  }
0xbf: {  	s30 =	sld [smem:$0x0];
	_ =	sdelay $0x2  }
0xc0: {  	s31 =	sshll.u32 s1, $0xD;
	s1 =	sshrl.u32 s1, $0x2  }
0xc1: {  	s3 =	sand.u32 $0x4000, s31;
	s1 =	sadd.s32 s1, s30  }
0xc2: {  	s0 =	sor.u32 s3, s0;
	s1 =	sshll.u32 s1, $0x11  }
0xc3: {  	s0 =	sor.u32 s1, s0  }
0xc4: {  	s0 =	sadd.s32 $0x8F2B, s0  }
0xc5: {  	[sflag:s0] =	ssyncadd.remote.s32 $0x1  }
0xc6: {  	_ =	sfence.sel $0xFFFF  }
0xc7: {  	[dreg:$0x0] =	wrdreg $0xFFFFFFFF;
	(pc) =	sbr.abs _section_cstart, $3  }
0xc8: {  	[dreg:$0x1] =	wrdreg $0xFFFFFFFF  }
0xc9: {  	_ =	task.clear_ibuf [dreg:s8], $0x2FFFF;
	_ =	strace $0x9FFFFFFF  }
0xca: {  	(tm) =	ssettm $0x7FFFFFFF  }
0xcb: {  	_ =	shalt  }
tec
execute0_lowered:
.L_overlay_start_1:
0x0: {  	(tag) =	ssettag $0x1  }
0x1: {  	s6 =	rddreg [dreg:$0x0]  }
0x2: {  	s10 =	rddreg [dreg:$0x1]  }
0x3: {  	s9 =	rddreg [dreg:$0x2]  }
0x4: {  	s1 =	rddreg [dreg:$0x3]  }
0x5: {  	s2 =	srdreg.scid;
	s0 =	rddreg [dreg:$0x4]  }
0x6: {  	s3 =	simm.s32 $0x0;
	s15 =	simm.s32 $0x50;
	s5 =	sand.u32 $0x1, s2  }
0x7: {  	s16 =	simm.s32 $0x14100;
	s2 =	stileid.u32;
	s7 =	smul.u32 $0x140000, s5  }
0x8: {  	s17 =	simm.s32 $0x1;
	s18 =	simm.s32 $0x0;
	s8 =	smul.u32 $0x14000, s2  }
0x9: {  	[smem:$0x7FF] =	sst s3;
	s4 =	sadd.s32 $0x3E00, s6;
	s11 =	smul.u32 $0x50000, s2  }
0xa: {  	_ =	strace $0x8000004A;
	s26 =	ssub.s32 $0x2, s5;
	s12 =	smul.u32 $0x27100, s5  }
0xb: {  	s14 =	smul.u32 $0x2710, s2;
	s5 =	sadd.s32 $0x1600, s6;
	s13 =	sshrl.u32 s26, $0x1  }
0xc: {  	s29 =	sshll.u32 s2, $0x6;
	s7 =	sadd.s32 s8, s7;
	s8 =	ssub.s32 s26, s13  }
0xd: {  	s28 =	sshrl.u32 s11, $0x2;
	s12 =	sadd.s32 s14, s12;
	s13 =	simm.s32 $0x14000  }
0xe: {  	s14 =	simm.s32 $0x14080;
	s7 =	sshrl.u32 s7, $0x3;
	s30 =	sadd.s32 s28, s1  }
0xf: {  	s31 =	sshrl.u32 s12, $0x3;
	s8 =	smax.u32 s8, $0x1;
	s12 =	simm.s32 $0x2  }
0x10: {  	s7 =	sadd.s32 s7, s6;
	s6 =	sor.u32 $0x1C02, s29;
	s9 =	sadd.s32 s31, s9  }
0x11: {  	s10 =	sadd.s32 s31, s10;
	s11 =	sshrl.u32 s30, $0x3;
	s7 =	sadd.s32 $0x2BE00, s7  }
.LBB2_1:
0x12: {  	[spmem:s11], [sflag:s6] =	dma.local [hbm:s5], $0x2800  }
0x13: {  	_ =	swait.ge [sflag:s12], $0x2800  }
0x14: {  	[sflag:s12] =	ssyncset.done $0x0  }
0x15: {  	[sflag:s12] =	ssyncadd.s32 $0xFFFFD800  }
0x16: {  	s19 =	sadd.s32 $0x0, s10;
	[bflag:$0x0] =	sbarrier.arrive $0xFFFF  }
0x17: {  	[tilespmem:s13], [sflag:$0x2] =	stream.linear.gather [hbm4b:s19+s3], $0x50, $0x38;
	[tilespmem:$0x16900] =	vst v63  }
0x18: {  	_ =	swait.ge [sflag:s12], $0x50  }
0x19: {  	[sflag:s12] =	ssyncset.done $0x0  }
0x1a: {  	s31 =	sadd.s32 $0x0, s9;
	[sflag:s12] =	ssyncadd.s32 $0xFFFFFFB0  }
0x1b: {  	[tilespmem:s14], [sflag:$0x2] =	stream.linear.gather [hbm4b:s31+s3], $0x50, $0x38;
	[tilespmem:$0x16900] =	vst v63  }
0x1c: {  	_ =	swait.ge [sflag:s12], $0x50  }
0x1d: {  	[sflag:s12] =	ssyncset.done $0x0  }
0x1e: {  	[sflag:s12] =	ssyncadd.s32 $0xFFFFFFB0  }
0x1f: {  	[tilespmem:s16], [sflag:$0x1] =	stream.indirect.gather [hbm4b:s4+s15], $0x80, s13, s15, $0xb8;
	[tilespmem:$0x16900] =	vst v63  }
0x20: {  	_ =	swait.ge [sflag:s17], $0x2800  }
0x21: {  	[sflag:s17] =	ssyncset.done $0x0  }
0x22: {  	[sflag:s17] =	ssyncadd.s32 $0xFFFFD800  }
0x23: {  	[spmem:s1] =	stream.indirect.scatter.add.f32 [tilespmem:s16], [sflag:$0x2], $0x80, s14, s15, $0xb8;
	[tilespmem:$0x16900] =	vst v63  }
0x24: {  	_ =	swait.ge [sflag:s12], $0x2800  }
0x25: {  	s20 =	simm.s32 $0x14;
	s19 =	simm.s32 $0xA;
	[sflag:s12] =	ssyncset.done $0x0  }
.LBB2_2:
0x26: {  	s21 =	sadd.s32 s19, s10  }
0x27: {  	[sflag:s12] =	ssyncadd.s32 $0xFFFFD800;
	s22 =	smov.u32 s20;
	s23 =	sadd.s32 $0xA, s20  }
0x28: {  	[tilespmem:s13], [sflag:$0x2] =	stream.linear.gather [hbm4b:s21+s3], $0x50, $0x38;
	[tilespmem:$0x16900] =	vst v63  }
0x29: {  	p0 =	sne.s32 s20, $0x4D8;
	_ =	swait.ge [sflag:s12], $0x50  }
0x2a: {  	[sflag:s12] =	ssyncset.done $0x0  }
0x2b: {  	s20 =	sadd.s32 s19, s9;
	s19 =	smov.u32 s22;
	[sflag:s12] =	ssyncadd.s32 $0xFFFFFFB0  }
0x2c: {  	[tilespmem:s14], [sflag:$0x2] =	stream.linear.gather [hbm4b:s20+s3], $0x50, $0x38;
	[tilespmem:$0x16900] =	vst v63  }
0x2d: {  	_ =	swait.ge [sflag:s12], $0x50  }
0x2e: {  	[sflag:s12] =	ssyncset.done $0x0  }
0x2f: {  	[sflag:s12] =	ssyncadd.s32 $0xFFFFFFB0  }
0x30: {  	[tilespmem:s16], [sflag:$0x1] =	stream.indirect.gather [hbm4b:s4+s15], $0x80, s13, s15, $0xb8;
	[tilespmem:$0x16900] =	vst v63  }
0x31: {  	_ =	swait.ge [sflag:s17], $0x2800  }
.Ltmp0:
0x32: {  	[sflag:s17] =	ssyncset.done $0x0;
	(pc) =	sbr.rel @p0 .LBB2_2-.Ltmp0, $4  }
0x33: {  	[sflag:s17] =	ssyncadd.s32 $0xFFFFD800  }
0x34: {  	[spmem:s1] =	stream.indirect.scatter.add.f32 [tilespmem:s16], [sflag:$0x2], $0x80, s14, s15, $0xb8;
	[tilespmem:$0x16900] =	vst v63  }
0x35: {  	_ =	swait.ge [sflag:s12], $0x2800  }
0x36: {  	s20 =	smov.u32 s23;
	[sflag:s12] =	ssyncset.done $0x0  }
0x37: {  	s20 =	sadd.s32 s19, s10;
	[sflag:s12] =	ssyncadd.s32 $0xFFFFD800  }
0x38: {  	[tilespmem:s13], [sflag:$0x2] =	stream.linear.gather [hbm4b:s20+s3], $0x50, $0x38;
	[tilespmem:$0x16900] =	vst v63  }
0x39: {  	_ =	swait.ge [sflag:s12], $0x50  }
0x3a: {  	[sflag:s12] =	ssyncset.done $0x0  }
0x3b: {  	s31 =	sadd.s32 s19, s9;
	[sflag:s12] =	ssyncadd.s32 $0xFFFFFFB0  }
0x3c: {  	[tilespmem:s14], [sflag:$0x2] =	stream.linear.gather [hbm4b:s31+s3], $0x50, $0x38;
	[tilespmem:$0x16900] =	vst v63  }
0x3d: {  	_ =	swait.ge [sflag:s12], $0x50  }
0x3e: {  	[sflag:s12] =	ssyncset.done $0x0  }
0x3f: {  	[sflag:s12] =	ssyncadd.s32 $0xFFFFFFB0  }
0x40: {  	[tilespmem:s16], [sflag:$0x1] =	stream.indirect.gather [hbm4b:s4+s15], $0x80, s13, s15, $0xb8;
	[tilespmem:$0x16900] =	vst v63  }
0x41: {  	_ =	swait.ge [sflag:s17], $0x2800  }
0x42: {  	[sflag:s17] =	ssyncset.done $0x0  }
0x43: {  	[sflag:s17] =	ssyncadd.s32 $0xFFFFD800  }
0x44: {  	[spmem:s1] =	stream.indirect.scatter.add.f32 [tilespmem:s16], [sflag:$0x2], $0x80, s14, s15, $0xb8;
	[tilespmem:$0x16900] =	vst v63  }
0x45: {  	_ =	swait.ge [sflag:s12], $0x2800  }
0x46: {  	s18 =	sadd.s32 $0x1, s18;
	[sflag:s12] =	ssyncset.done $0x0  }
0x47: {  	p0 =	sne.s32 s18, s8;
	[sflag:s12] =	ssyncadd.s32 $0xFFFFD800  }
.Ltmp1:
0x48: {  	[bflag:$0x0] =	sbarrier.arrive $0xFFFF;
	(pc) =	sbr.rel @p0 .LBB2_1-.Ltmp1, $4  }
0x49: {  	[hbm:s7], [sflag:s6] =	dma.local [spmem:s11], $0x2800  }
0x4a: {  	_ =	swait.ge [sflag:s12], $0x2800  }
0x4b: {  	[sflag:s12] =	ssyncset.done $0x0  }
0x4c: {  	[sflag:s12] =	ssyncadd.s32 $0xFFFFD800  }
0x4d: {  	_ =	sfence.sel $0x180000  }
0x4e: {  	[bflag:$0x0] =	sbarrier.arrive $0xFFFF  }
0x4f: {  	p0 =	sne.s32 s2, $0x0;
	_ =	strace $0x9000004A  }
0x50: {  	s0 =	sadd.s32 @!p0 $0x100000, s0;
	[bflag:$0x2] =	sbarrier.arrive $0xFFFF  }
0x51: {  	[sflag:s0] =	ssyncadd.tile.s32 @!p0 $0x1;
	_ =	shalt  }
.Lfunc_end2:
_tile_overlayer_lowered:
.L_overlay_start_2:
0x52: {  	(tag) =	ssettag $0x2  }
0x53: {  	s0 =	rddreg [dreg:$0x0];
	s2 =	stileid.u32  }
0x54: {  	s1 =	rddreg [dreg:$0x1];
	p0 =	sne.s32 s2, $0x0  }
0x55: {  	s3 =	rddreg [dreg:$0x2];
	[bflag:$0x3] =	sbarrier.arrive $0xFFFF;
	s2 =	simm.s32 @!p0 $0x1C02  }
0x56: {  	[timem:s3], [sflag:s2] =	dma.local @!p0 [hbm:s0], s1  }
0x57: {  	s0 =	simm.s32 @!p0 $0x2  }
0x58: {  	_ =	swait.ge @!p0 [sflag:s0], s1  }
0x59: {  	s1 =	ssub.s32 @!p0 $0x0, s1;
	[sflag:s0] =	ssyncset.done @!p0 $0x0  }
0x5a: {  	[sflag:s0] =	ssyncadd.s32 @!p0 s1  }
0x5b: {  	[bflag:$0x3] =	sbarrier.arrive $0xFFFF  }
0x5c: {  	_ =	shalt  }

</sc_bundles>
